<compile_context>
chip_gen: v7x
topology: tpu7x:2x2x1
jax: 0.10.2.dev20260603
libtpu: 0.0.44.dev20260713+nightly
codegen_flags: <defaults>
</compile_context>

<pallas_src>
import functools
import math

import jax
import jax.numpy as jnp
import numpy as np
from jax import lax
from jax.experimental import pallas as pl
from jax.experimental.pallas import tpu as pltpu
from jax.experimental.pallas import tpu_sc as plsc

N_SAMPLES = 1048576
N_BINS = 1024
X_MIN, X_MAX = -4.0, 4.0
SIGMA = (X_MAX - X_MIN) / N_BINS
DELTA = (X_MAX - X_MIN) / (N_BINS - 1)
RHO = DELTA / SIGMA
RHO2 = RHO * RHO
W = 3
D = 2
NMOM = D + 1

NC, NS, L = 2, 16, 16
NW = NC * NS
CHUNK = N_SAMPLES // NW
NVEC = CHUNK // L
UNROLL = 8

SH = 8
MW = N_BINS + 2 * SH
YOFF = 32

SCALE = 1.0 / (N_SAMPLES * SIGMA * math.sqrt(2.0 * math.pi))
Y_LO = YOFF - W - 0.9
Y_HI = YOFF + N_BINS + W + 0.9

_ug = np.linspace(-0.5, 0.5, 4001)
C_POLY = []
for _k in range(-W, W + 1):
    _cf = np.polynomial.chebyshev.chebfit(
        _ug * 2.0, np.exp(-0.5 * RHO2 * (_ug - _k) ** 2), D)
    _mono = np.polynomial.chebyshev.cheb2poly(_cf) * (2.0 ** np.arange(D + 1))
    C_POLY.append([float(c) for c in _mono])


def _sc_body(x_hbm, part_hbm, x_v, acc_v, sem):
    wid = lax.axis_index("s") * NC + lax.axis_index("c")
    base = wid * CHUNK
    cp = pltpu.async_copy(x_hbm.at[pl.ds(base, CHUNK)], x_v, sem)

    zero = jnp.zeros((L,), jnp.float32)
    ones = jnp.full((L,), 1.0, jnp.float32)

    @plsc.parallel_loop(0, MW // L, 1)
    def zero_blk(b):
        for d in range(NMOM):
            acc_v[pl.ds(pl.multiple_of(b * L + d * MW, L), L)] = zero

    cp.wait()

    @plsc.parallel_loop(0, NVEC // UNROLL, 1)
    def sample_blk(ii):
        i0 = ii * UNROLL
        moms = []
        for s in range(UNROLL):
            xv = x_v[pl.ds(pl.multiple_of((i0 + s) * L, L), L)]
            y = xv * (1.0 / DELTA) + (0.5 - X_MIN / DELTA + YOFF)
            y = jnp.minimum(jnp.maximum(y, Y_LO), Y_HI)
            j0 = y.astype(jnp.int32)
            u = y - j0.astype(jnp.float32) - 0.5
            moms.append((j0 + (SH - YOFF), [ones, u, u * u]))
        for jb, vs in moms:
            for d in range(NMOM):
                plsc.addupdate_scatter(
                    acc_v.at[pl.ds(d * MW, (NMOM - d) * MW)], [jb], vs[d])

    pltpu.sync_copy(acc_v, part_hbm.at[wid])


_sc_moments = functools.partial(
    pl.kernel,
    out_type=jax.ShapeDtypeStruct((NW, NMOM * MW), jnp.float32),
    mesh=plsc.VectorSubcoreMesh(core_axis_name="c", subcore_axis_name="s"),
    scratch_types=[
        pltpu.VMEM((CHUNK,), jnp.float32),
        pltpu.VMEM((NMOM * MW,), jnp.float32),
        pltpu.SemaphoreType.DMA,
    ],
    compiler_params=pltpu.CompilerParams(needs_layout_passes=False),
)(_sc_body)


def _tc_reduce(p_ref, o_ref):
    m = jnp.sum(p_ref[...], axis=0, keepdims=True)
    hist = jnp.zeros((1, N_BINS), jnp.float32)
    for k in range(-W, W + 1):
        for d in range(NMOM):
            c = C_POLY[k + W][d]
            off = d * MW + SH - k
            hist = hist + c * lax.slice(m, (0, off), (1, off + N_BINS))
    o_ref[...] = hist * SCALE


@jax.jit
def kernel(x):
    partials = _sc_moments(x)
    hist = pl.pallas_call(
        _tc_reduce,
        out_shape=jax.ShapeDtypeStruct((1, N_BINS), jnp.float32),
    )(partials)
    return hist.reshape(N_BINS)

# --- scband reference (transcript-rebuilt; emitter-appended) ---
"""Pipeline reference for scband-histogram-61108794688137 (READ-ONLY COPY).

The authoritative reference and input builder live on the scoring server;
editing this copy changes nothing except your own understanding.
"""

import jax, jax.numpy as jnp
import numpy as np

N_SAMPLES = 1048576
N_BINS = 1024
X_MIN, X_MAX = -4.0, 4.0


def setup_inputs(seed: int = 0) -> dict:
    key = jax.random.key(seed)
    x = jax.random.normal(key, (N_SAMPLES,), dtype=jnp.float32)
    return {"x": x}


def reference(x):
    # Concrete _forward: Gaussian-kernel (KDE) soft histogram over fixed bins.
    # hist[j] = (1 / (N * sigma * sqrt(2*pi))) * sum_i exp(-0.5 * ((x_i - c_j)/sigma)^2)
    centers = jnp.linspace(X_MIN, X_MAX, N_BINS, dtype=jnp.float32)
    sigma = jnp.float32((X_MAX - X_MIN) / N_BINS)
    n = x.shape[0]
    chunk = 4096
    xr = x.reshape(n // chunk, chunk)

    def body(carry, xc):
        d = (xc[:, None] - centers[None, :]) / sigma
        h = jnp.sum(jnp.exp(-0.5 * d * d), axis=0)
        return carry + h, None

    hist, _ = jax.lax.scan(body, jnp.zeros((N_BINS,), dtype=jnp.float32), xr)
    hist = hist / (jnp.float32(n) * sigma * jnp.sqrt(jnp.float32(2.0 * np.pi)))
    # noise_scale == 0.0 -> noise branch in Histogram.forward is a no-op
    return hist

if __name__ == "__main__":
    import jax
    _d = setup_inputs()
    print(jax.jit(kernel)(*tuple(_d.values())))

</pallas_src>

<mosaic_0001>
#map = affine_map<(d0, d1) -> (0)>
#map1 = affine_map<(d0, d1) -> (0, 0)>
module attributes {stable_mosaic.version = 14 : i64} {
  func.func @_sc_body(%arg0: i32, %arg1: i32, %arg2: memref<1048576xf32, #tpu.memory_space<hbm>>, %arg3: memref<32x3120xf32, #tpu.memory_space<hbm>>, %arg4: memref<32768xf32, #tpu.memory_space<vmem>>, %arg5: memref<3120xf32, #tpu.memory_space<vmem>>, %arg6: memref<!tpu.dma_semaphore, #tpu.memory_space<semaphore_mem>>) attributes {dimension_semantics = [#tpu.dimension_semantics<core_parallel>, #tpu.dimension_semantics<subcore_parallel>], iteration_bounds = array<i64: 2, 16>, scalar_prefetch = 0 : i64, scratch_operands = 3 : i64, tpu.core_type = #tpu.core_type<sc_vector_subcore>, window_params = [{transform_indices = #map}, {transform_indices = #map1}]} {
    %mul3A = arith.constant 2 : i32
    %mul3A_0 = arith.muli %arg1, %mul3A : i32
    %add3A = arith.addi %mul3A_0, %arg0 : i32
    %mul3A_1 = arith.constant 32768 : i32
    %mul3A_2 = arith.muli %add3A, %mul3A_1 : i32
    %dma_start3A = tpu.memref_slice %arg2[%mul3A_2] : memref<1048576xf32, #tpu.memory_space<hbm>> -> memref<32768xf32, #tpu.memory_space<hbm>>
    %dma_start3A_3 = tpu.memref_slice %arg2[%mul3A_2] : memref<1048576xf32, #tpu.memory_space<hbm>> -> memref<32768xf32, #tpu.memory_space<hbm>>
    tpu.enqueue_dma source(%dma_start3A_3 : memref<32768xf32, #tpu.memory_space<hbm>>) target(%arg4 : memref<32768xf32, #tpu.memory_space<vmem>>) target_semaphore(%arg6 : memref<!tpu.dma_semaphore, #tpu.memory_space<semaphore_mem>>)
    %broadcast_in_dim3A = arith.constant 0.000000e+00 : f32
    %broadcast_in_dim3A_4 = vector.broadcast %broadcast_in_dim3A : f32 to vector<16xf32>
    %broadcast_in_dim3A_5 = arith.constant 1.000000e+00 : f32
    %broadcast_in_dim3A_6 = vector.broadcast %broadcast_in_dim3A_5 : f32 to vector<16xf32>
    %parallel_loop3A = arith.constant 0 : i32
    %parallel_loop3A_7 = arith.constant 65 : i32
    %parallel_loop3A_8 = arith.constant 1 : i32
    scf.for %parallel_loop3A_13 = %parallel_loop3A to %parallel_loop3A_7 step %parallel_loop3A_8  : i32 {
      %parallel_loop3A_14 = arith.constant 16 : i32
      %parallel_loop3A_15 = arith.muli %parallel_loop3A_13, %parallel_loop3A_14 : i32
      %parallel_loop3A_16 = arith.constant 0 : i32
      %parallel_loop3A_17 = arith.addi %parallel_loop3A_15, %parallel_loop3A_16 : i32
      %parallel_loop3A_18 = tpu.assume_multiple %parallel_loop3A_17, 16 : i32
      %parallel_loop3A_19 = arith.index_cast %parallel_loop3A_18 : i32 to index
      %parallel_loop3A_20 = tpu.vector_load %arg5[%parallel_loop3A_19] {strides = array<i32>} : memref<3120xf32, #tpu.memory_space<vmem>>, vector<16xf32>,
      tpu.vector_store %arg5[%parallel_loop3A_19], %broadcast_in_dim3A_4 {strides = array<i32>} : memref<3120xf32, #tpu.memory_space<vmem>>, vector<16xf32>,
      %parallel_loop3A_21 = arith.constant 16 : i32
      %parallel_loop3A_22 = arith.muli %parallel_loop3A_13, %parallel_loop3A_21 : i32
      %parallel_loop3A_23 = arith.constant 1040 : i32
      %parallel_loop3A_24 = arith.addi %parallel_loop3A_22, %parallel_loop3A_23 : i32
      %parallel_loop3A_25 = tpu.assume_multiple %parallel_loop3A_24, 16 : i32
      %parallel_loop3A_26 = arith.index_cast %parallel_loop3A_25 : i32 to index
      %parallel_loop3A_27 = tpu.vector_load %arg5[%parallel_loop3A_26] {strides = array<i32>} : memref<3120xf32, #tpu.memory_space<vmem>>, vector<16xf32>,
      tpu.vector_store %arg5[%parallel_loop3A_26], %broadcast_in_dim3A_4 {strides = array<i32>} : memref<3120xf32, #tpu.memory_space<vmem>>, vector<16xf32>,
      %parallel_loop3A_28 = arith.constant 16 : i32
      %parallel_loop3A_29 = arith.muli %parallel_loop3A_13, %parallel_loop3A_28 : i32
      %parallel_loop3A_30 = arith.constant 2080 : i32
      %parallel_loop3A_31 = arith.addi %parallel_loop3A_29, %parallel_loop3A_30 : i32
      %parallel_loop3A_32 = tpu.assume_multiple %parallel_loop3A_31, 16 : i32
      %parallel_loop3A_33 = arith.index_cast %parallel_loop3A_32 : i32 to index
      %parallel_loop3A_34 = tpu.vector_load %arg5[%parallel_loop3A_33] {strides = array<i32>} : memref<3120xf32, #tpu.memory_space<vmem>>, vector<16xf32>,
      tpu.vector_store %arg5[%parallel_loop3A_33], %broadcast_in_dim3A_4 {strides = array<i32>} : memref<3120xf32, #tpu.memory_space<vmem>>, vector<16xf32>,
    } {sc.loop_unroll_factor = 1 : i64, sc.parallel_access}
    %dma_wait3A = tpu.memref_slice %arg2[%mul3A_2] : memref<1048576xf32, #tpu.memory_space<hbm>> -> memref<32768xf32, #tpu.memory_space<hbm>>
    %dma_wait3A_9 = tpu.memref_slice %arg2[%mul3A_2] : memref<1048576xf32, #tpu.memory_space<hbm>> -> memref<32768xf32, #tpu.memory_space<hbm>>
    tpu.wait_dma2 semaphore(%arg6 : memref<!tpu.dma_semaphore, #tpu.memory_space<semaphore_mem>>) src(%dma_wait3A_9 : memref<32768xf32, #tpu.memory_space<hbm>>) dst(%arg4 : memref<32768xf32, #tpu.memory_space<vmem>>)
    %parallel_loop3A_10 = arith.constant 0 : i32
    %parallel_loop3A_11 = arith.constant 256 : i32
    %parallel_loop3A_12 = arith.constant 1 : i32
    scf.for %parallel_loop3A_13 = %parallel_loop3A_10 to %parallel_loop3A_11 step %parallel_loop3A_12  : i32 {
      %parallel_loop3A_14 = arith.constant 8 : i32
      %parallel_loop3A_15 = arith.muli %parallel_loop3A_13, %parallel_loop3A_14 : i32
      %parallel_loop3A_16 = arith.constant 0 : i32
      %parallel_loop3A_17 = arith.addi %parallel_loop3A_15, %parallel_loop3A_16 : i32
      %parallel_loop3A_18 = arith.constant 16 : i32
      %parallel_loop3A_19 = arith.muli %parallel_loop3A_17, %parallel_loop3A_18 : i32
      %parallel_loop3A_20 = tpu.assume_multiple %parallel_loop3A_19, 16 : i32
      %parallel_loop3A_21 = arith.index_cast %parallel_loop3A_20 : i32 to index
      %parallel_loop3A_22 = tpu.vector_load %arg4[%parallel_loop3A_21] {strides = array<i32>} : memref<32768xf32, #tpu.memory_space<vmem>>, vector<16xf32>,
      %parallel_loop3A_23 = arith.constant 1.278750e+02 : f32
      %parallel_loop3A_24 = vector.broadcast %parallel_loop3A_23 : f32 to vector<16xf32>
      %parallel_loop3A_25 = arith.mulf %parallel_loop3A_22, %parallel_loop3A_24 : vector<16xf32>
      %parallel_loop3A_26 = arith.constant 5.440000e+02 : f32
      %parallel_loop3A_27 = vector.broadcast %parallel_loop3A_26 : f32 to vector<16xf32>
      %parallel_loop3A_28 = arith.addf %parallel_loop3A_25, %parallel_loop3A_27 : vector<16xf32>
      %parallel_loop3A_29 = arith.constant 2.810000e+01 : f32
      %parallel_loop3A_30 = vector.broadcast %parallel_loop3A_29 : f32 to vector<16xf32>
      %parallel_loop3A_31 = arith.maximumf %parallel_loop3A_28, %parallel_loop3A_30 : vector<16xf32>
      %parallel_loop3A_32 = arith.constant 1.059900e+03 : f32
      %parallel_loop3A_33 = vector.broadcast %parallel_loop3A_32 : f32 to vector<16xf32>
      %parallel_loop3A_34 = arith.minimumf %parallel_loop3A_31, %parallel_loop3A_33 : vector<16xf32>
      %parallel_loop3A_35 = arith.fptosi %parallel_loop3A_34 : vector<16xf32> to vector<16xi32>
      %parallel_loop3A_36 = arith.sitofp %parallel_loop3A_35 : vector<16xi32> to vector<16xf32>
      %parallel_loop3A_37 = arith.subf %parallel_loop3A_34, %parallel_loop3A_36 : vector<16xf32>
      %parallel_loop3A_38 = arith.constant 5.000000e-01 : f32
      %parallel_loop3A_39 = vector.broadcast %parallel_loop3A_38 : f32 to vector<16xf32>
      %parallel_loop3A_40 = arith.subf %parallel_loop3A_37, %parallel_loop3A_39 : vector<16xf32>
      %parallel_loop3A_41 = arith.constant -24 : i32
      %parallel_loop3A_42 = vector.broadcast %parallel_loop3A_41 : i32 to vector<16xi32>
      %parallel_loop3A_43 = arith.addi %parallel_loop3A_35, %parallel_loop3A_42 : vector<16xi32>
      %parallel_loop3A_44 = arith.mulf %parallel_loop3A_40, %parallel_loop3A_40 : vector<16xf32>
      %parallel_loop3A_45 = arith.constant 1 : i32
      %parallel_loop3A_46 = arith.addi %parallel_loop3A_15, %parallel_loop3A_45 : i32
      %parallel_loop3A_47 = arith.constant 16 : i32
      %parallel_loop3A_48 = arith.muli %parallel_loop3A_46, %parallel_loop3A_47 : i32
      %parallel_loop3A_49 = tpu.assume_multiple %parallel_loop3A_48, 16 : i32
      %parallel_loop3A_50 = arith.index_cast %parallel_loop3A_49 : i32 to index
      %parallel_loop3A_51 = tpu.vector_load %arg4[%parallel_loop3A_50] {strides = array<i32>} : memref<32768xf32, #tpu.memory_space<vmem>>, vector<16xf32>,
      %parallel_loop3A_52 = arith.constant 1.278750e+02 : f32
      %parallel_loop3A_53 = vector.broadcast %parallel_loop3A_52 : f32 to vector<16xf32>
      %parallel_loop3A_54 = arith.mulf %parallel_loop3A_51, %parallel_loop3A_53 : vector<16xf32>
      %parallel_loop3A_55 = arith.constant 5.440000e+02 : f32
      %parallel_loop3A_56 = vector.broadcast %parallel_loop3A_55 : f32 to vector<16xf32>
      %parallel_loop3A_57 = arith.addf %parallel_loop3A_54, %parallel_loop3A_56 : vector<16xf32>
      %parallel_loop3A_58 = arith.constant 2.810000e+01 : f32
      %parallel_loop3A_59 = vector.broadcast %parallel_loop3A_58 : f32 to vector<16xf32>
      %parallel_loop3A_60 = arith.maximumf %parallel_loop3A_57, %parallel_loop3A_59 : vector<16xf32>
      %parallel_loop3A_61 = arith.constant 1.059900e+03 : f32
      %parallel_loop3A_62 = vector.broadcast %parallel_loop3A_61 : f32 to vector<16xf32>
      %parallel_loop3A_63 = arith.minimumf %parallel_loop3A_60, %parallel_loop3A_62 : vector<16xf32>
      %parallel_loop3A_64 = arith.fptosi %parallel_loop3A_63 : vector<16xf32> to vector<16xi32>
      %parallel_loop3A_65 = arith.sitofp %parallel_loop3A_64 : vector<16xi32> to vector<16xf32>
      %parallel_loop3A_66 = arith.subf %parallel_loop3A_63, %parallel_loop3A_65 : vector<16xf32>
      %parallel_loop3A_67 = arith.constant 5.000000e-01 : f32
      %parallel_loop3A_68 = vector.broadcast %parallel_loop3A_67 : f32 to vector<16xf32>
      %parallel_loop3A_69 = arith.subf %parallel_loop3A_66, %parallel_loop3A_68 : vector<16xf32>
      %parallel_loop3A_70 = arith.constant -24 : i32
      %parallel_loop3A_71 = vector.broadcast %parallel_loop3A_70 : i32 to vector<16xi32>
      %parallel_loop3A_72 = arith.addi %parallel_loop3A_64, %parallel_loop3A_71 : vector<16xi32>
      %parallel_loop3A_73 = arith.mulf %parallel_loop3A_69, %parallel_loop3A_69 : vector<16xf32>
      %parallel_loop3A_74 = arith.constant 2 : i32
      %parallel_loop3A_75 = arith.addi %parallel_loop3A_15, %parallel_loop3A_74 : i32
      %parallel_loop3A_76 = arith.constant 16 : i32
      %parallel_loop3A_77 = arith.muli %parallel_loop3A_75, %parallel_loop3A_76 : i32
      %parallel_loop3A_78 = tpu.assume_multiple %parallel_loop3A_77, 16 : i32
      %parallel_loop3A_79 = arith.index_cast %parallel_loop3A_78 : i32 to index
      %parallel_loop3A_80 = tpu.vector_load %arg4[%parallel_loop3A_79] {strides = array<i32>} : memref<32768xf32, #tpu.memory_space<vmem>>, vector<16xf32>,
      %parallel_loop3A_81 = arith.constant 1.278750e+02 : f32
      %parallel_loop3A_82 = vector.broadcast %parallel_loop3A_81 : f32 to vector<16xf32>
      %parallel_loop3A_83 = arith.mulf %parallel_loop3A_80, %parallel_loop3A_82 : vector<16xf32>
      %parallel_loop3A_84 = arith.constant 5.440000e+02 : f32
      %parallel_loop3A_85 = vector.broadcast %parallel_loop3A_84 : f32 to vector<16xf32>
      %parallel_loop3A_86 = arith.addf %parallel_loop3A_83, %parallel_loop3A_85 : vector<16xf32>
      %parallel_loop3A_87 = arith.constant 2.810000e+01 : f32
      %parallel_loop3A_88 = vector.broadcast %parallel_loop3A_87 : f32 to vector<16xf32>
      %parallel_loop3A_89 = arith.maximumf %parallel_loop3A_86, %parallel_loop3A_88 : vector<16xf32>
      %parallel_loop3A_90 = arith.constant 1.059900e+03 : f32
      %parallel_loop3A_91 = vector.broadcast %parallel_loop3A_90 : f32 to vector<16xf32>
      %parallel_loop3A_92 = arith.minimumf %parallel_loop3A_89, %parallel_loop3A_91 : vector<16xf32>
      %parallel_loop3A_93 = arith.fptosi %parallel_loop3A_92 : vector<16xf32> to vector<16xi32>
      %parallel_loop3A_94 = arith.sitofp %parallel_loop3A_93 : vector<16xi32> to vector<16xf32>
      %parallel_loop3A_95 = arith.subf %parallel_loop3A_92, %parallel_loop3A_94 : vector<16xf32>
      %parallel_loop3A_96 = arith.constant 5.000000e-01 : f32
      %parallel_loop3A_97 = vector.broadcast %parallel_loop3A_96 : f32 to vector<16xf32>
      %parallel_loop3A_98 = arith.subf %parallel_loop3A_95, %parallel_loop3A_97 : vector<16xf32>
      %parallel_loop3A_99 = arith.constant -24 : i32
      %parallel_loop3A_100 = vector.broadcast %parallel_loop3A_99 : i32 to vector<16xi32>
      %parallel_loop3A_101 = arith.addi %parallel_loop3A_93, %parallel_loop3A_100 : vector<16xi32>
      %parallel_loop3A_102 = arith.mulf %parallel_loop3A_98, %parallel_loop3A_98 : vector<16xf32>
      %parallel_loop3A_103 = arith.constant 3 : i32
      %parallel_loop3A_104 = arith.addi %parallel_loop3A_15, %parallel_loop3A_103 : i32
      %parallel_loop3A_105 = arith.constant 16 : i32
      %parallel_loop3A_106 = arith.muli %parallel_loop3A_104, %parallel_loop3A_105 : i32
      %parallel_loop3A_107 = tpu.assume_multiple %parallel_loop3A_106, 16 : i32
      %parallel_loop3A_108 = arith.index_cast %parallel_loop3A_107 : i32 to index
      %parallel_loop3A_109 = tpu.vector_load %arg4[%parallel_loop3A_108] {strides = array<i32>} : memref<32768xf32, #tpu.memory_space<vmem>>, vector<16xf32>,
      %parallel_loop3A_110 = arith.constant 1.278750e+02 : f32
      %parallel_loop3A_111 = vector.broadcast %parallel_loop3A_110 : f32 to vector<16xf32>
      %parallel_loop3A_112 = arith.mulf %parallel_loop3A_109, %parallel_loop3A_111 : vector<16xf32>
      %parallel_loop3A_113 = arith.constant 5.440000e+02 : f32
      %parallel_loop3A_114 = vector.broadcast %parallel_loop3A_113 : f32 to vector<16xf32>
      %parallel_loop3A_115 = arith.addf %parallel_loop3A_112, %parallel_loop3A_114 : vector<16xf32>
      %parallel_loop3A_116 = arith.constant 2.810000e+01 : f32
      %parallel_loop3A_117 = vector.broadcast %parallel_loop3A_116 : f32 to vector<16xf32>
      %parallel_loop3A_118 = arith.maximumf %parallel_loop3A_115, %parallel_loop3A_117 : vector<16xf32>
      %parallel_loop3A_119 = arith.constant 1.059900e+03 : f32
      %parallel_loop3A_120 = vector.broadcast %parallel_loop3A_119 : f32 to vector<16xf32>
      %parallel_loop3A_121 = arith.minimumf %parallel_loop3A_118, %parallel_loop3A_120 : vector<16xf32>
      %parallel_loop3A_122 = arith.fptosi %parallel_loop3A_121 : vector<16xf32> to vector<16xi32>
      %parallel_loop3A_123 = arith.sitofp %parallel_loop3A_122 : vector<16xi32> to vector<16xf32>
      %parallel_loop3A_124 = arith.subf %parallel_loop3A_121, %parallel_loop3A_123 : vector<16xf32>
      %parallel_loop3A_125 = arith.constant 5.000000e-01 : f32
      %parallel_loop3A_126 = vector.broadcast %parallel_loop3A_125 : f32 to vector<16xf32>
      %parallel_loop3A_127 = arith.subf %parallel_loop3A_124, %parallel_loop3A_126 : vector<16xf32>
      %parallel_loop3A_128 = arith.constant -24 : i32
      %parallel_loop3A_129 = vector.broadcast %parallel_loop3A_128 : i32 to vector<16xi32>
      %parallel_loop3A_130 = arith.addi %parallel_loop3A_122, %parallel_loop3A_129 : vector<16xi32>
      %parallel_loop3A_131 = arith.mulf %parallel_loop3A_127, %parallel_loop3A_127 : vector<16xf32>
      %parallel_loop3A_132 = arith.constant 4 : i32
      %parallel_loop3A_133 = arith.addi %parallel_loop3A_15, %parallel_loop3A_132 : i32
      %parallel_loop3A_134 = arith.constant 16 : i32
      %parallel_loop3A_135 = arith.muli %parallel_loop3A_133, %parallel_loop3A_134 : i32
      %parallel_loop3A_136 = tpu.assume_multiple %parallel_loop3A_135, 16 : i32
      %parallel_loop3A_137 = arith.index_cast %parallel_loop3A_136 : i32 to index
      %parallel_loop3A_138 = tpu.vector_load %arg4[%parallel_loop3A_137] {strides = array<i32>} : memref<32768xf32, #tpu.memory_space<vmem>>, vector<16xf32>,
      %parallel_loop3A_139 = arith.constant 1.278750e+02 : f32
      %parallel_loop3A_140 = vector.broadcast %parallel_loop3A_139 : f32 to vector<16xf32>
      %parallel_loop3A_141 = arith.mulf %parallel_loop3A_138, %parallel_loop3A_140 : vector<16xf32>
      %parallel_loop3A_142 = arith.constant 5.440000e+02 : f32
      %parallel_loop3A_143 = vector.broadcast %parallel_loop3A_142 : f32 to vector<16xf32>
      %parallel_loop3A_144 = arith.addf %parallel_loop3A_141, %parallel_loop3A_143 : vector<16xf32>
      %parallel_loop3A_145 = arith.constant 2.810000e+01 : f32
      %parallel_loop3A_146 = vector.broadcast %parallel_loop3A_145 : f32 to vector<16xf32>
      %parallel_loop3A_147 = arith.maximumf %parallel_loop3A_144, %parallel_loop3A_146 : vector<16xf32>
      %parallel_loop3A_148 = arith.constant 1.059900e+03 : f32
      %parallel_loop3A_149 = vector.broadcast %parallel_loop3A_148 : f32 to vector<16xf32>
      %parallel_loop3A_150 = arith.minimumf %parallel_loop3A_147, %parallel_loop3A_149 : vector<16xf32>
      %parallel_loop3A_151 = arith.fptosi %parallel_loop3A_150 : vector<16xf32> to vector<16xi32>
      %parallel_loop3A_152 = arith.sitofp %parallel_loop3A_151 : vector<16xi32> to vector<16xf32>
      %parallel_loop3A_153 = arith.subf %parallel_loop3A_150, %parallel_loop3A_152 : vector<16xf32>
      %parallel_loop3A_154 = arith.constant 5.000000e-01 : f32
      %parallel_loop3A_155 = vector.broadcast %parallel_loop3A_154 : f32 to vector<16xf32>
      %parallel_loop3A_156 = arith.subf %parallel_loop3A_153, %parallel_loop3A_155 : vector<16xf32>
      %parallel_loop3A_157 = arith.constant -24 : i32
      %parallel_loop3A_158 = vector.broadcast %parallel_loop3A_157 : i32 to vector<16xi32>
      %parallel_loop3A_159 = arith.addi %parallel_loop3A_151, %parallel_loop3A_158 : vector<16xi32>
      %parallel_loop3A_160 = arith.mulf %parallel_loop3A_156, %parallel_loop3A_156 : vector<16xf32>
      %parallel_loop3A_161 = arith.constant 5 : i32
      %parallel_loop3A_162 = arith.addi %parallel_loop3A_15, %parallel_loop3A_161 : i32
      %parallel_loop3A_163 = arith.constant 16 : i32
      %parallel_loop3A_164 = arith.muli %parallel_loop3A_162, %parallel_loop3A_163 : i32
      %parallel_loop3A_165 = tpu.assume_multiple %parallel_loop3A_164, 16 : i32
      %parallel_loop3A_166 = arith.index_cast %parallel_loop3A_165 : i32 to index
      %parallel_loop3A_167 = tpu.vector_load %arg4[%parallel_loop3A_166] {strides = array<i32>} : memref<32768xf32, #tpu.memory_space<vmem>>, vector<16xf32>,
      %parallel_loop3A_168 = arith.constant 1.278750e+02 : f32
      %parallel_loop3A_169 = vector.broadcast %parallel_loop3A_168 : f32 to vector<16xf32>
      %parallel_loop3A_170 = arith.mulf %parallel_loop3A_167, %parallel_loop3A_169 : vector<16xf32>
      %parallel_loop3A_171 = arith.constant 5.440000e+02 : f32
      %parallel_loop3A_172 = vector.broadcast %parallel_loop3A_171 : f32 to vector<16xf32>
      %parallel_loop3A_173 = arith.addf %parallel_loop3A_170, %parallel_loop3A_172 : vector<16xf32>
      %parallel_loop3A_174 = arith.constant 2.810000e+01 : f32
      %parallel_loop3A_175 = vector.broadcast %parallel_loop3A_174 : f32 to vector<16xf32>
      %parallel_loop3A_176 = arith.maximumf %parallel_loop3A_173, %parallel_loop3A_175 : vector<16xf32>
      %parallel_loop3A_177 = arith.constant 1.059900e+03 : f32
      %parallel_loop3A_178 = vector.broadcast %parallel_loop3A_177 : f32 to vector<16xf32>
      %parallel_loop3A_179 = arith.minimumf %parallel_loop3A_176, %parallel_loop3A_178 : vector<16xf32>
      %parallel_loop3A_180 = arith.fptosi %parallel_loop3A_179 : vector<16xf32> to vector<16xi32>
      %parallel_loop3A_181 = arith.sitofp %parallel_loop3A_180 : vector<16xi32> to vector<16xf32>
      %parallel_loop3A_182 = arith.subf %parallel_loop3A_179, %parallel_loop3A_181 : vector<16xf32>
      %parallel_loop3A_183 = arith.constant 5.000000e-01 : f32
      %parallel_loop3A_184 = vector.broadcast %parallel_loop3A_183 : f32 to vector<16xf32>
      %parallel_loop3A_185 = arith.subf %parallel_loop3A_182, %parallel_loop3A_184 : vector<16xf32>
      %parallel_loop3A_186 = arith.constant -24 : i32
      %parallel_loop3A_187 = vector.broadcast %parallel_loop3A_186 : i32 to vector<16xi32>
      %parallel_loop3A_188 = arith.addi %parallel_loop3A_180, %parallel_loop3A_187 : vector<16xi32>
      %parallel_loop3A_189 = arith.mulf %parallel_loop3A_185, %parallel_loop3A_185 : vector<16xf32>
      %parallel_loop3A_190 = arith.constant 6 : i32
      %parallel_loop3A_191 = arith.addi %parallel_loop3A_15, %parallel_loop3A_190 : i32
      %parallel_loop3A_192 = arith.constant 16 : i32
      %parallel_loop3A_193 = arith.muli %parallel_loop3A_191, %parallel_loop3A_192 : i32
      %parallel_loop3A_194 = tpu.assume_multiple %parallel_loop3A_193, 16 : i32
      %parallel_loop3A_195 = arith.index_cast %parallel_loop3A_194 : i32 to index
      %parallel_loop3A_196 = tpu.vector_load %arg4[%parallel_loop3A_195] {strides = array<i32>} : memref<32768xf32, #tpu.memory_space<vmem>>, vector<16xf32>,
      %parallel_loop3A_197 = arith.constant 1.278750e+02 : f32
      %parallel_loop3A_198 = vector.broadcast %parallel_loop3A_197 : f32 to vector<16xf32>
      %parallel_loop3A_199 = arith.mulf %parallel_loop3A_196, %parallel_loop3A_198 : vector<16xf32>
      %parallel_loop3A_200 = arith.constant 5.440000e+02 : f32
      %parallel_loop3A_201 = vector.broadcast %parallel_loop3A_200 : f32 to vector<16xf32>
      %parallel_loop3A_202 = arith.addf %parallel_loop3A_199, %parallel_loop3A_201 : vector<16xf32>
      %parallel_loop3A_203 = arith.constant 2.810000e+01 : f32
      %parallel_loop3A_204 = vector.broadcast %parallel_loop3A_203 : f32 to vector<16xf32>
      %parallel_loop3A_205 = arith.maximumf %parallel_loop3A_202, %parallel_loop3A_204 : vector<16xf32>
      %parallel_loop3A_206 = arith.constant 1.059900e+03 : f32
      %parallel_loop3A_207 = vector.broadcast %parallel_loop3A_206 : f32 to vector<16xf32>
      %parallel_loop3A_208 = arith.minimumf %parallel_loop3A_205, %parallel_loop3A_207 : vector<16xf32>
      %parallel_loop3A_209 = arith.fptosi %parallel_loop3A_208 : vector<16xf32> to vector<16xi32>
      %parallel_loop3A_210 = arith.sitofp %parallel_loop3A_209 : vector<16xi32> to vector<16xf32>
      %parallel_loop3A_211 = arith.subf %parallel_loop3A_208, %parallel_loop3A_210 : vector<16xf32>
      %parallel_loop3A_212 = arith.constant 5.000000e-01 : f32
      %parallel_loop3A_213 = vector.broadcast %parallel_loop3A_212 : f32 to vector<16xf32>
      %parallel_loop3A_214 = arith.subf %parallel_loop3A_211, %parallel_loop3A_213 : vector<16xf32>
      %parallel_loop3A_215 = arith.constant -24 : i32
      %parallel_loop3A_216 = vector.broadcast %parallel_loop3A_215 : i32 to vector<16xi32>
      %parallel_loop3A_217 = arith.addi %parallel_loop3A_209, %parallel_loop3A_216 : vector<16xi32>
      %parallel_loop3A_218 = arith.mulf %parallel_loop3A_214, %parallel_loop3A_214 : vector<16xf32>
      %parallel_loop3A_219 = arith.constant 7 : i32
      %parallel_loop3A_220 = arith.addi %parallel_loop3A_15, %parallel_loop3A_219 : i32
      %parallel_loop3A_221 = arith.constant 16 : i32
      %parallel_loop3A_222 = arith.muli %parallel_loop3A_220, %parallel_loop3A_221 : i32
      %parallel_loop3A_223 = tpu.assume_multiple %parallel_loop3A_222, 16 : i32
      %parallel_loop3A_224 = arith.index_cast %parallel_loop3A_223 : i32 to index
      %parallel_loop3A_225 = tpu.vector_load %arg4[%parallel_loop3A_224] {strides = array<i32>} : memref<32768xf32, #tpu.memory_space<vmem>>, vector<16xf32>,
      %parallel_loop3A_226 = arith.constant 1.278750e+02 : f32
      %parallel_loop3A_227 = vector.broadcast %parallel_loop3A_226 : f32 to vector<16xf32>
      %parallel_loop3A_228 = arith.mulf %parallel_loop3A_225, %parallel_loop3A_227 : vector<16xf32>
      %parallel_loop3A_229 = arith.constant 5.440000e+02 : f32
      %parallel_loop3A_230 = vector.broadcast %parallel_loop3A_229 : f32 to vector<16xf32>
      %parallel_loop3A_231 = arith.addf %parallel_loop3A_228, %parallel_loop3A_230 : vector<16xf32>
      %parallel_loop3A_232 = arith.constant 2.810000e+01 : f32
      %parallel_loop3A_233 = vector.broadcast %parallel_loop3A_232 : f32 to vector<16xf32>
      %parallel_loop3A_234 = arith.maximumf %parallel_loop3A_231, %parallel_loop3A_233 : vector<16xf32>
      %parallel_loop3A_235 = arith.constant 1.059900e+03 : f32
      %parallel_loop3A_236 = vector.broadcast %parallel_loop3A_235 : f32 to vector<16xf32>
      %parallel_loop3A_237 = arith.minimumf %parallel_loop3A_234, %parallel_loop3A_236 : vector<16xf32>
      %parallel_loop3A_238 = arith.fptosi %parallel_loop3A_237 : vector<16xf32> to vector<16xi32>
      %parallel_loop3A_239 = arith.sitofp %parallel_loop3A_238 : vector<16xi32> to vector<16xf32>
      %parallel_loop3A_240 = arith.subf %parallel_loop3A_237, %parallel_loop3A_239 : vector<16xf32>
      %parallel_loop3A_241 = arith.constant 5.000000e-01 : f32
      %parallel_loop3A_242 = vector.broadcast %parallel_loop3A_241 : f32 to vector<16xf32>
      %parallel_loop3A_243 = arith.subf %parallel_loop3A_240, %parallel_loop3A_242 : vector<16xf32>
      %parallel_loop3A_244 = arith.constant -24 : i32
      %parallel_loop3A_245 = vector.broadcast %parallel_loop3A_244 : i32 to vector<16xi32>
      %parallel_loop3A_246 = arith.addi %parallel_loop3A_238, %parallel_loop3A_245 : vector<16xi32>
      %parallel_loop3A_247 = arith.mulf %parallel_loop3A_243, %parallel_loop3A_243 : vector<16xf32>
      %parallel_loop3A_248 = arith.constant 0 : i32
      %parallel_loop3A_249 = tpu.memref_slice %arg5[%parallel_loop3A_248] : memref<3120xf32, #tpu.memory_space<vmem>> -> memref<3120xf32, #tpu.memory_space<vmem>>
      tpu.vector_store_idx %parallel_loop3A_249[%parallel_loop3A_43], %broadcast_in_dim3A_6 {add = true} : memref<3120xf32, #tpu.memory_space<vmem>>[vector<16xi32>], vector<16xf32>,
      %parallel_loop3A_250 = arith.constant 1040 : i32
      %parallel_loop3A_251 = tpu.memref_slice %arg5[%parallel_loop3A_250] : memref<3120xf32, #tpu.memory_space<vmem>> -> memref<2080xf32, #tpu.memory_space<vmem>>
      tpu.vector_store_idx %parallel_loop3A_251[%parallel_loop3A_43], %parallel_loop3A_40 {add = true} : memref<2080xf32, #tpu.memory_space<vmem>>[vector<16xi32>], vector<16xf32>,
      %parallel_loop3A_252 = arith.constant 2080 : i32
      %parallel_loop3A_253 = tpu.memref_slice %arg5[%parallel_loop3A_252] : memref<3120xf32, #tpu.memory_space<vmem>> -> memref<1040xf32, #tpu.memory_space<vmem>>
      tpu.vector_store_idx %parallel_loop3A_253[%parallel_loop3A_43], %parallel_loop3A_44 {add = true} : memref<1040xf32, #tpu.memory_space<vmem>>[vector<16xi32>], vector<16xf32>,
      %parallel_loop3A_254 = arith.constant 0 : i32
      %parallel_loop3A_255 = tpu.memref_slice %arg5[%parallel_loop3A_254] : memref<3120xf32, #tpu.memory_space<vmem>> -> memref<3120xf32, #tpu.memory_space<vmem>>
      tpu.vector_store_idx %parallel_loop3A_255[%parallel_loop3A_72], %broadcast_in_dim3A_6 {add = true} : memref<3120xf32, #tpu.memory_space<vmem>>[vector<16xi32>], vector<16xf32>,
      %parallel_loop3A_256 = arith.constant 1040 : i32
      %parallel_loop3A_257 = tpu.memref_slice %arg5[%parallel_loop3A_256] : memref<3120xf32, #tpu.memory_space<vmem>> -> memref<2080xf32, #tpu.memory_space<vmem>>
      tpu.vector_store_idx %parallel_loop3A_257[%parallel_loop3A_72], %parallel_loop3A_69 {add = true} : memref<2080xf32, #tpu.memory_space<vmem>>[vector<16xi32>], vector<16xf32>,
      %parallel_loop3A_258 = arith.constant 2080 : i32
      %parallel_loop3A_259 = tpu.memref_slice %arg5[%parallel_loop3A_258] : memref<3120xf32, #tpu.memory_space<vmem>> -> memref<1040xf32, #tpu.memory_space<vmem>>
      tpu.vector_store_idx %parallel_loop3A_259[%parallel_loop3A_72], %parallel_loop3A_73 {add = true} : memref<1040xf32, #tpu.memory_space<vmem>>[vector<16xi32>], vector<16xf32>,
      %parallel_loop3A_260 = arith.constant 0 : i32
      %parallel_loop3A_261 = tpu.memref_slice %arg5[%parallel_loop3A_260] : memref<3120xf32, #tpu.memory_space<vmem>> -> memref<3120xf32, #tpu.memory_space<vmem>>
      tpu.vector_store_idx %parallel_loop3A_261[%parallel_loop3A_101], %broadcast_in_dim3A_6 {add = true} : memref<3120xf32, #tpu.memory_space<vmem>>[vector<16xi32>], vector<16xf32>,
      %parallel_loop3A_262 = arith.constant 1040 : i32
      %parallel_loop3A_263 = tpu.memref_slice %arg5[%parallel_loop3A_262] : memref<3120xf32, #tpu.memory_space<vmem>> -> memref<2080xf32, #tpu.memory_space<vmem>>
      tpu.vector_store_idx %parallel_loop3A_263[%parallel_loop3A_101], %parallel_loop3A_98 {add = true} : memref<2080xf32, #tpu.memory_space<vmem>>[vector<16xi32>], vector<16xf32>,
      %parallel_loop3A_264 = arith.constant 2080 : i32
      %parallel_loop3A_265 = tpu.memref_slice %arg5[%parallel_loop3A_264] : memref<3120xf32, #tpu.memory_space<vmem>> -> memref<1040xf32, #tpu.memory_space<vmem>>
      tpu.vector_store_idx %parallel_loop3A_265[%parallel_loop3A_101], %parallel_loop3A_102 {add = true} : memref<1040xf32, #tpu.memory_space<vmem>>[vector<16xi32>], vector<16xf32>,
      %parallel_loop3A_266 = arith.constant 0 : i32
      %parallel_loop3A_267 = tpu.memref_slice %arg5[%parallel_loop3A_266] : memref<3120xf32, #tpu.memory_space<vmem>> -> memref<3120xf32, #tpu.memory_space<vmem>>
      tpu.vector_store_idx %parallel_loop3A_267[%parallel_loop3A_130], %broadcast_in_dim3A_6 {add = true} : memref<3120xf32, #tpu.memory_space<vmem>>[vector<16xi32>], vector<16xf32>,
      %parallel_loop3A_268 = arith.constant 1040 : i32
      %parallel_loop3A_269 = tpu.memref_slice %arg5[%parallel_loop3A_268] : memref<3120xf32, #tpu.memory_space<vmem>> -> memref<2080xf32, #tpu.memory_space<vmem>>
      tpu.vector_store_idx %parallel_loop3A_269[%parallel_loop3A_130], %parallel_loop3A_127 {add = true} : memref<2080xf32, #tpu.memory_space<vmem>>[vector<16xi32>], vector<16xf32>,
      %parallel_loop3A_270 = arith.constant 2080 : i32
      %parallel_loop3A_271 = tpu.memref_slice %arg5[%parallel_loop3A_270] : memref<3120xf32, #tpu.memory_space<vmem>> -> memref<1040xf32, #tpu.memory_space<vmem>>
      tpu.vector_store_idx %parallel_loop3A_271[%parallel_loop3A_130], %parallel_loop3A_131 {add = true} : memref<1040xf32, #tpu.memory_space<vmem>>[vector<16xi32>], vector<16xf32>,
      %parallel_loop3A_272 = arith.constant 0 : i32
      %parallel_loop3A_273 = tpu.memref_slice %arg5[%parallel_loop3A_272] : memref<3120xf32, #tpu.memory_space<vmem>> -> memref<3120xf32, #tpu.memory_space<vmem>>
      tpu.vector_store_idx %parallel_loop3A_273[%parallel_loop3A_159], %broadcast_in_dim3A_6 {add = true} : memref<3120xf32, #tpu.memory_space<vmem>>[vector<16xi32>], vector<16xf32>,
      %parallel_loop3A_274 = arith.constant 1040 : i32
      %parallel_loop3A_275 = tpu.memref_slice %arg5[%parallel_loop3A_274] : memref<3120xf32, #tpu.memory_space<vmem>> -> memref<2080xf32, #tpu.memory_space<vmem>>
      tpu.vector_store_idx %parallel_loop3A_275[%parallel_loop3A_159], %parallel_loop3A_156 {add = true} : memref<2080xf32, #tpu.memory_space<vmem>>[vector<16xi32>], vector<16xf32>,
      %parallel_loop3A_276 = arith.constant 2080 : i32
      %parallel_loop3A_277 = tpu.memref_slice %arg5[%parallel_loop3A_276] : memref<3120xf32, #tpu.memory_space<vmem>> -> memref<1040xf32, #tpu.memory_space<vmem>>
      tpu.vector_store_idx %parallel_loop3A_277[%parallel_loop3A_159], %parallel_loop3A_160 {add = true} : memref<1040xf32, #tpu.memory_space<vmem>>[vector<16xi32>], vector<16xf32>,
      %parallel_loop3A_278 = arith.constant 0 : i32
      %parallel_loop3A_279 = tpu.memref_slice %arg5[%parallel_loop3A_278] : memref<3120xf32, #tpu.memory_space<vmem>> -> memref<3120xf32, #tpu.memory_space<vmem>>
      tpu.vector_store_idx %parallel_loop3A_279[%parallel_loop3A_188], %broadcast_in_dim3A_6 {add = true} : memref<3120xf32, #tpu.memory_space<vmem>>[vector<16xi32>], vector<16xf32>,
      %parallel_loop3A_280 = arith.constant 1040 : i32
      %parallel_loop3A_281 = tpu.memref_slice %arg5[%parallel_loop3A_280] : memref<3120xf32, #tpu.memory_space<vmem>> -> memref<2080xf32, #tpu.memory_space<vmem>>
      tpu.vector_store_idx %parallel_loop3A_281[%parallel_loop3A_188], %parallel_loop3A_185 {add = true} : memref<2080xf32, #tpu.memory_space<vmem>>[vector<16xi32>], vector<16xf32>,
      %parallel_loop3A_282 = arith.constant 2080 : i32
      %parallel_loop3A_283 = tpu.memref_slice %arg5[%parallel_loop3A_282] : memref<3120xf32, #tpu.memory_space<vmem>> -> memref<1040xf32, #tpu.memory_space<vmem>>
      tpu.vector_store_idx %parallel_loop3A_283[%parallel_loop3A_188], %parallel_loop3A_189 {add = true} : memref<1040xf32, #tpu.memory_space<vmem>>[vector<16xi32>], vector<16xf32>,
      %parallel_loop3A_284 = arith.constant 0 : i32
      %parallel_loop3A_285 = tpu.memref_slice %arg5[%parallel_loop3A_284] : memref<3120xf32, #tpu.memory_space<vmem>> -> memref<3120xf32, #tpu.memory_space<vmem>>
      tpu.vector_store_idx %parallel_loop3A_285[%parallel_loop3A_217], %broadcast_in_dim3A_6 {add = true} : memref<3120xf32, #tpu.memory_space<vmem>>[vector<16xi32>], vector<16xf32>,
      %parallel_loop3A_286 = arith.constant 1040 : i32
      %parallel_loop3A_287 = tpu.memref_slice %arg5[%parallel_loop3A_286] : memref<3120xf32, #tpu.memory_space<vmem>> -> memref<2080xf32, #tpu.memory_space<vmem>>
      tpu.vector_store_idx %parallel_loop3A_287[%parallel_loop3A_217], %parallel_loop3A_214 {add = true} : memref<2080xf32, #tpu.memory_space<vmem>>[vector<16xi32>], vector<16xf32>,
      %parallel_loop3A_288 = arith.constant 2080 : i32
      %parallel_loop3A_289 = tpu.memref_slice %arg5[%parallel_loop3A_288] : memref<3120xf32, #tpu.memory_space<vmem>> -> memref<1040xf32, #tpu.memory_space<vmem>>
      tpu.vector_store_idx %parallel_loop3A_289[%parallel_loop3A_217], %parallel_loop3A_218 {add = true} : memref<1040xf32, #tpu.memory_space<vmem>>[vector<16xi32>], vector<16xf32>,
      %parallel_loop3A_290 = arith.constant 0 : i32
      %parallel_loop3A_291 = tpu.memref_slice %arg5[%parallel_loop3A_290] : memref<3120xf32, #tpu.memory_space<vmem>> -> memref<3120xf32, #tpu.memory_space<vmem>>
      tpu.vector_store_idx %parallel_loop3A_291[%parallel_loop3A_246], %broadcast_in_dim3A_6 {add = true} : memref<3120xf32, #tpu.memory_space<vmem>>[vector<16xi32>], vector<16xf32>,
      %parallel_loop3A_292 = arith.constant 1040 : i32
      %parallel_loop3A_293 = tpu.memref_slice %arg5[%parallel_loop3A_292] : memref<3120xf32, #tpu.memory_space<vmem>> -> memref<2080xf32, #tpu.memory_space<vmem>>
      tpu.vector_store_idx %parallel_loop3A_293[%parallel_loop3A_246], %parallel_loop3A_243 {add = true} : memref<2080xf32, #tpu.memory_space<vmem>>[vector<16xi32>], vector<16xf32>,
      %parallel_loop3A_294 = arith.constant 2080 : i32
      %parallel_loop3A_295 = tpu.memref_slice %arg5[%parallel_loop3A_294] : memref<3120xf32, #tpu.memory_space<vmem>> -> memref<1040xf32, #tpu.memory_space<vmem>>
      tpu.vector_store_idx %parallel_loop3A_295[%parallel_loop3A_246], %parallel_loop3A_247 {add = true} : memref<1040xf32, #tpu.memory_space<vmem>>[vector<16xi32>], vector<16xf32>,
    } {sc.loop_unroll_factor = 1 : i64, sc.parallel_access}
    "tpu.region"() ({
      %run_scoped3A = tpu.sem_alloc : memref<!tpu.dma_semaphore, #tpu.memory_space<semaphore_mem>>
      %dma_start3A_13 = arith.constant 0 : i32
      %dma_start3A_14 = tpu.memref_slice %arg3[%add3A, %dma_start3A_13] : memref<32x3120xf32, #tpu.memory_space<hbm>> -> memref<1x3120xf32, #tpu.memory_space<hbm>>
      %dma_start3A_15 = tpu.memref_squeeze %dma_start3A_14 : memref<1x3120xf32, #tpu.memory_space<hbm>> -> memref<3120xf32, #tpu.memory_space<hbm>>
      %dma_start3A_16 = arith.constant 0 : i32
      %dma_start3A_17 = tpu.memref_slice %arg3[%add3A, %dma_start3A_16] : memref<32x3120xf32, #tpu.memory_space<hbm>> -> memref<1x3120xf32, #tpu.memory_space<hbm>>
      %dma_start3A_18 = tpu.memref_squeeze %dma_start3A_17 : memref<1x3120xf32, #tpu.memory_space<hbm>> -> memref<3120xf32, #tpu.memory_space<hbm>>
      tpu.enqueue_dma source(%arg5 : memref<3120xf32, #tpu.memory_space<vmem>>) target(%dma_start3A_18 : memref<3120xf32, #tpu.memory_space<hbm>>) target_semaphore(%run_scoped3A : memref<!tpu.dma_semaphore, #tpu.memory_space<semaphore_mem>>)
      %dma_wait3A_19 = arith.constant 0 : i32
      %dma_wait3A_20 = tpu.memref_slice %arg3[%add3A, %dma_wait3A_19] : memref<32x3120xf32, #tpu.memory_space<hbm>> -> memref<1x3120xf32, #tpu.memory_space<hbm>>
      %dma_wait3A_21 = tpu.memref_squeeze %dma_wait3A_20 : memref<1x3120xf32, #tpu.memory_space<hbm>> -> memref<3120xf32, #tpu.memory_space<hbm>>
      %dma_wait3A_22 = arith.constant 0 : i32
      %dma_wait3A_23 = tpu.memref_slice %arg3[%add3A, %dma_wait3A_22] : memref<32x3120xf32, #tpu.memory_space<hbm>> -> memref<1x3120xf32, #tpu.memory_space<hbm>>
      %dma_wait3A_24 = tpu.memref_squeeze %dma_wait3A_23 : memref<1x3120xf32, #tpu.memory_space<hbm>> -> memref<3120xf32, #tpu.memory_space<hbm>>
      tpu.wait_dma2 semaphore(%run_scoped3A : memref<!tpu.dma_semaphore, #tpu.memory_space<semaphore_mem>>) src(%arg5 : memref<3120xf32, #tpu.memory_space<vmem>>) dst(%dma_wait3A_24 : memref<3120xf32, #tpu.memory_space<hbm>>)
      tpu.yield
    }) : () -> ()
    return
  }
}

module attributes {stable_mosaic.version = 14 : i64} {
  func.func @_tc_reduce(%arg0: memref<32x3120xf32, #tpu.memory_space<vmem>>, %arg1: memref<1x1024xf32, #tpu.memory_space<vmem>>) attributes {dimension_semantics = [], scalar_prefetch = 0 : i64, scratch_operands = 0 : i64, tpu.core_type = #tpu.core_type<tc>} {
    %get3A = arith.constant 0 : index
    %get3A_0 = arith.constant 0 : index
    %get3A_1 = vector.load %arg0[%get3A, %get3A_0] : memref<32x3120xf32, #tpu.memory_space<vmem>>, vector<32x3120xf32>
    %reduce_sum3A = arith.constant dense<0.000000e+00> : vector<3120xf32>
    %reduce_sum3A_2 = vector.multi_reduction <add>, %get3A_1, %reduce_sum3A [0] : vector<32x3120xf32> to vector<3120xf32>
    %broadcast_in_dim3A = vector.shape_cast %reduce_sum3A_2 : vector<3120xf32> to vector<1x3120xf32>
    %broadcast_in_dim3A_3 = arith.constant 0.000000e+00 : f32
    %broadcast_in_dim3A_4 = vector.broadcast %broadcast_in_dim3A_3 : f32 to vector<1x1024xf32>
    %slice3A = vector.extract_strided_slice %broadcast_in_dim3A {offsets = [0, 11], sizes = [1, 1024], strides = [1, 1]} : vector<1x3120xf32> to vector<1x1024xf32>
    %mul3A = arith.constant 0.0109392637 : f32
    %mul3A_5 = vector.broadcast %mul3A : f32 to vector<1x1024xf32>
    %mul3A_6 = arith.mulf %mul3A_5, %slice3A : vector<1x1024xf32>
    %add3A = arith.addf %broadcast_in_dim3A_4, %mul3A_6 : vector<1x1024xf32>
    %slice3A_7 = vector.extract_strided_slice %broadcast_in_dim3A {offsets = [0, 1051], sizes = [1, 1024], strides = [1, 1]} : vector<1x3120xf32> to vector<1x1024xf32>
    %mul3A_8 = arith.constant -0.0381323658 : f32
    %mul3A_9 = vector.broadcast %mul3A_8 : f32 to vector<1x1024xf32>
    %mul3A_10 = arith.mulf %mul3A_9, %slice3A_7 : vector<1x1024xf32>
    %add3A_11 = arith.addf %add3A, %mul3A_10 : vector<1x1024xf32>
    %slice3A_12 = vector.extract_strided_slice %broadcast_in_dim3A {offsets = [0, 2091], sizes = [1, 1024], strides = [1, 1]} : vector<1x3120xf32> to vector<1x1024xf32>
    %mul3A_13 = arith.constant 0.0471462272 : f32
    %mul3A_14 = vector.broadcast %mul3A_13 : f32 to vector<1x1024xf32>
    %mul3A_15 = arith.mulf %mul3A_14, %slice3A_12 : vector<1x1024xf32>
    %add3A_16 = arith.addf %add3A_11, %mul3A_15 : vector<1x1024xf32>
    %slice3A_17 = vector.extract_strided_slice %broadcast_in_dim3A {offsets = [0, 10], sizes = [1, 1024], strides = [1, 1]} : vector<1x3120xf32> to vector<1x1024xf32>
    %mul3A_18 = arith.constant 0.134960458 : f32
    %mul3A_19 = vector.broadcast %mul3A_18 : f32 to vector<1x1024xf32>
    %mul3A_20 = arith.mulf %mul3A_19, %slice3A_17 : vector<1x1024xf32>
    %add3A_21 = arith.addf %add3A_16, %mul3A_20 : vector<1x1024xf32>
    %slice3A_22 = vector.extract_strided_slice %broadcast_in_dim3A {offsets = [0, 1050], sizes = [1, 1024], strides = [1, 1]} : vector<1x3120xf32> to vector<1x1024xf32>
    %mul3A_23 = arith.constant -0.276429892 : f32
    %mul3A_24 = vector.broadcast %mul3A_23 : f32 to vector<1x1024xf32>
    %mul3A_25 = arith.mulf %mul3A_24, %slice3A_22 : vector<1x1024xf32>
    %add3A_26 = arith.addf %add3A_21, %mul3A_25 : vector<1x1024xf32>
    %slice3A_27 = vector.extract_strided_slice %broadcast_in_dim3A {offsets = [0, 2090], sizes = [1, 1024], strides = [1, 1]} : vector<1x3120xf32> to vector<1x1024xf32>
    %mul3A_28 = arith.constant 0.197021931 : f32
    %mul3A_29 = vector.broadcast %mul3A_28 : f32 to vector<1x1024xf32>
    %mul3A_30 = arith.mulf %mul3A_29, %slice3A_27 : vector<1x1024xf32>
    %add3A_31 = arith.addf %add3A_26, %mul3A_30 : vector<1x1024xf32>
    %slice3A_32 = vector.extract_strided_slice %broadcast_in_dim3A {offsets = [0, 9], sizes = [1, 1024], strides = [1, 1]} : vector<1x3120xf32> to vector<1x1024xf32>
    %mul3A_33 = arith.constant 0.606191158 : f32
    %mul3A_34 = vector.broadcast %mul3A_33 : f32 to vector<1x1024xf32>
    %mul3A_35 = arith.mulf %mul3A_34, %slice3A_32 : vector<1x1024xf32>
    %add3A_36 = arith.addf %add3A_31, %mul3A_35 : vector<1x1024xf32>
    %slice3A_37 = vector.extract_strided_slice %broadcast_in_dim3A {offsets = [0, 1049], sizes = [1, 1024], strides = [1, 1]} : vector<1x3120xf32> to vector<1x1024xf32>
    %mul3A_38 = arith.constant -0.577524483 : f32
    %mul3A_39 = vector.broadcast %mul3A_38 : f32 to vector<1x1024xf32>
    %mul3A_40 = arith.mulf %mul3A_39, %slice3A_37 : vector<1x1024xf32>
    %add3A_41 = arith.addf %add3A_36, %mul3A_40 : vector<1x1024xf32>
    %slice3A_42 = vector.extract_strided_slice %broadcast_in_dim3A {offsets = [0, 2089], sizes = [1, 1024], strides = [1, 1]} : vector<1x3120xf32> to vector<1x1024xf32>
    %mul3A_43 = arith.constant -9.728820e-03 : f32
    %mul3A_44 = vector.broadcast %mul3A_43 : f32 to vector<1x1024xf32>
    %mul3A_45 = arith.mulf %mul3A_44, %slice3A_42 : vector<1x1024xf32>
    %add3A_46 = arith.addf %add3A_41, %mul3A_45 : vector<1x1024xf32>
    %slice3A_47 = vector.extract_strided_slice %broadcast_in_dim3A {offsets = [0, 8], sizes = [1, 1024], strides = [1, 1]} : vector<1x3120xf32> to vector<1x1024xf32>
    %mul3A_48 = arith.constant 0.999357402 : f32
    %mul3A_49 = vector.broadcast %mul3A_48 : f32 to vector<1x1024xf32>
    %mul3A_50 = arith.mulf %mul3A_49, %slice3A_47 : vector<1x1024xf32>
    %add3A_51 = arith.addf %add3A_46, %mul3A_50 : vector<1x1024xf32>
    %slice3A_52 = vector.extract_strided_slice %broadcast_in_dim3A {offsets = [0, 1048], sizes = [1, 1024], strides = [1, 1]} : vector<1x3120xf32> to vector<1x1024xf32>
    %mul3A_53 = arith.constant -1.74347554E-17 : f32
    %mul3A_54 = vector.broadcast %mul3A_53 : f32 to vector<1x1024xf32>
    %mul3A_55 = arith.mulf %mul3A_54, %slice3A_52 : vector<1x1024xf32>
    %add3A_56 = arith.addf %add3A_51, %mul3A_55 : vector<1x1024xf32>
    %slice3A_57 = vector.extract_strided_slice %broadcast_in_dim3A {offsets = [0, 2088], sizes = [1, 1024], strides = [1, 1]} : vector<1x3120xf32> to vector<1x1024xf32>
    %mul3A_58 = arith.constant -0.474986047 : f32
    %mul3A_59 = vector.broadcast %mul3A_58 : f32 to vector<1x1024xf32>
    %mul3A_60 = arith.mulf %mul3A_59, %slice3A_57 : vector<1x1024xf32>
    %add3A_61 = arith.addf %add3A_56, %mul3A_60 : vector<1x1024xf32>
    %slice3A_62 = vector.extract_strided_slice %broadcast_in_dim3A {offsets = [0, 7], sizes = [1, 1024], strides = [1, 1]} : vector<1x3120xf32> to vector<1x1024xf32>
    %mul3A_63 = arith.constant 0.606191158 : f32
    %mul3A_64 = vector.broadcast %mul3A_63 : f32 to vector<1x1024xf32>
    %mul3A_65 = arith.mulf %mul3A_64, %slice3A_62 : vector<1x1024xf32>
    %add3A_66 = arith.addf %add3A_61, %mul3A_65 : vector<1x1024xf32>
    %slice3A_67 = vector.extract_strided_slice %broadcast_in_dim3A {offsets = [0, 1047], sizes = [1, 1024], strides = [1, 1]} : vector<1x3120xf32> to vector<1x1024xf32>
    %mul3A_68 = arith.constant 0.577524483 : f32
    %mul3A_69 = vector.broadcast %mul3A_68 : f32 to vector<1x1024xf32>
    %mul3A_70 = arith.mulf %mul3A_69, %slice3A_67 : vector<1x1024xf32>
    %add3A_71 = arith.addf %add3A_66, %mul3A_70 : vector<1x1024xf32>
    %slice3A_72 = vector.extract_strided_slice %broadcast_in_dim3A {offsets = [0, 2087], sizes = [1, 1024], strides = [1, 1]} : vector<1x3120xf32> to vector<1x1024xf32>
    %mul3A_73 = arith.constant -9.728820e-03 : f32
    %mul3A_74 = vector.broadcast %mul3A_73 : f32 to vector<1x1024xf32>
    %mul3A_75 = arith.mulf %mul3A_74, %slice3A_72 : vector<1x1024xf32>
    %add3A_76 = arith.addf %add3A_71, %mul3A_75 : vector<1x1024xf32>
    %slice3A_77 = vector.extract_strided_slice %broadcast_in_dim3A {offsets = [0, 6], sizes = [1, 1024], strides = [1, 1]} : vector<1x3120xf32> to vector<1x1024xf32>
    %mul3A_78 = arith.constant 0.134960458 : f32
    %mul3A_79 = vector.broadcast %mul3A_78 : f32 to vector<1x1024xf32>
    %mul3A_80 = arith.mulf %mul3A_79, %slice3A_77 : vector<1x1024xf32>
    %add3A_81 = arith.addf %add3A_76, %mul3A_80 : vector<1x1024xf32>
    %slice3A_82 = vector.extract_strided_slice %broadcast_in_dim3A {offsets = [0, 1046], sizes = [1, 1024], strides = [1, 1]} : vector<1x3120xf32> to vector<1x1024xf32>
    %mul3A_83 = arith.constant 0.276429892 : f32
    %mul3A_84 = vector.broadcast %mul3A_83 : f32 to vector<1x1024xf32>
    %mul3A_85 = arith.mulf %mul3A_84, %slice3A_82 : vector<1x1024xf32>
    %add3A_86 = arith.addf %add3A_81, %mul3A_85 : vector<1x1024xf32>
    %slice3A_87 = vector.extract_strided_slice %broadcast_in_dim3A {offsets = [0, 2086], sizes = [1, 1024], strides = [1, 1]} : vector<1x3120xf32> to vector<1x1024xf32>
    %mul3A_88 = arith.constant 0.197021931 : f32
    %mul3A_89 = vector.broadcast %mul3A_88 : f32 to vector<1x1024xf32>
    %mul3A_90 = arith.mulf %mul3A_89, %slice3A_87 : vector<1x1024xf32>
    %add3A_91 = arith.addf %add3A_86, %mul3A_90 : vector<1x1024xf32>
    %slice3A_92 = vector.extract_strided_slice %broadcast_in_dim3A {offsets = [0, 5], sizes = [1, 1024], strides = [1, 1]} : vector<1x3120xf32> to vector<1x1024xf32>
    %mul3A_93 = arith.constant 0.0109392637 : f32
    %mul3A_94 = vector.broadcast %mul3A_93 : f32 to vector<1x1024xf32>
    %mul3A_95 = arith.mulf %mul3A_94, %slice3A_92 : vector<1x1024xf32>
    %add3A_96 = arith.addf %add3A_91, %mul3A_95 : vector<1x1024xf32>
    %slice3A_97 = vector.extract_strided_slice %broadcast_in_dim3A {offsets = [0, 1045], sizes = [1, 1024], strides = [1, 1]} : vector<1x3120xf32> to vector<1x1024xf32>
    %mul3A_98 = arith.constant 0.0381323658 : f32
    %mul3A_99 = vector.broadcast %mul3A_98 : f32 to vector<1x1024xf32>
    %mul3A_100 = arith.mulf %mul3A_99, %slice3A_97 : vector<1x1024xf32>
    %add3A_101 = arith.addf %add3A_96, %mul3A_100 : vector<1x1024xf32>
    %slice3A_102 = vector.extract_strided_slice %broadcast_in_dim3A {offsets = [0, 2085], sizes = [1, 1024], strides = [1, 1]} : vector<1x3120xf32> to vector<1x1024xf32>
    %mul3A_103 = arith.constant 0.0471462272 : f32
    %mul3A_104 = vector.broadcast %mul3A_103 : f32 to vector<1x1024xf32>
    %mul3A_105 = arith.mulf %mul3A_104, %slice3A_102 : vector<1x1024xf32>
    %add3A_106 = arith.addf %add3A_101, %mul3A_105 : vector<1x1024xf32>
    %mul3A_107 = arith.constant 4.86990102E-5 : f32
    %mul3A_108 = vector.broadcast %mul3A_107 : f32 to vector<1x1024xf32>
    %mul3A_109 = arith.mulf %add3A_106, %mul3A_108 : vector<1x1024xf32>
    %swap3A = arith.constant 0 : index
    %swap3A_110 = arith.constant 0 : index
    %swap3A_111 = vector.load %arg1[%swap3A, %swap3A_110] : memref<1x1024xf32, #tpu.memory_space<vmem>>, vector<1x1024xf32>
    tpu.vector_store %arg1[%swap3A, %swap3A_110], %mul3A_109 {strides = array<i32>} : memref<1x1024xf32, #tpu.memory_space<vmem>>, vector<1x1024xf32>,
    return
  }
}

</mosaic_0001>

<sc_bundles>
// kernel: kernel.4.cloned.1.call-start
scs
__scs_entry_jumppad:
0x0: {  	(pc) =	sbr.rel $0x88, $3  }
0x1: {  	(tag) =	ssettag $0x0;
	lr =	simm.s32 $0x1  }
0x2: {  	[smem:$0x3FA0] =	sst lr;
	_ =	strace $0xD0000000  }
0x3: {  	_ = 	snop  }
0x4: {  	_ = 	snop  }
0x5: {  	_ = 	snop  }
0x6: {  	_ = 	snop  }
0x7: {  	_ = 	snop  }
__scs_overlays_trampoline_lowered:
0x8: {  	[smem:$0x3FAF] =	sst s0  }
0x9: {  	[smem:$0x3FB0] =	sst s1  }
0xa: {  	[smem:$0x3FB1] =	sst s2  }
0xb: {  	[smem:$0x3FB2] =	sst s3  }
0xc: {  	[smem:$0x3FB3] =	sst s4  }
0xd: {  	[smem:$0x3FB4] =	sst s5  }
0xe: {  	[smem:$0x3FB5] =	sst s6  }
0xf: {  	[smem:$0x3FB6] =	sst s7  }
0x10: {  	[smem:$0x3FB7] =	sst s8  }
0x11: {  	[smem:$0x3FB8] =	sst s9;
	s0 =	simm.s32 @!p0 $0x0  }
0x12: {  	s1 =	sld [smem:$0x3F9E];
	s0 =	simm.s32 @p0 $0x1  }
0x13: {  	[smem:$0x3FB9] =	sst s0;
	s0 =	simm.s32 @!p1 $0x0  }
0x14: {  	s2 =	sld [smem:$0x3F9D];
	s0 =	simm.s32 @p1 $0x1  }
0x15: {  	[smem:$0x3FBA] =	sst s0;
	s0 =	simm.s32 @!p2 $0x0  }
0x16: {  	s3 =	sld [smem:$0x3FDB];
	s0 =	simm.s32 @p2 $0x1  }
0x17: {  	s4 =	simm.s32 $0x1BF5;
	[smem:$0x3FBC] =	sst s0  }
0x18: {  	s0 =	sld [smem:$0x3F9F];
	_ =	swait.ge [sflag:s4], $0x0  }
0x19: {  	s7 =	sld [smem:$0x3FA0]  }
0x1a: {  	s8 =	sadd.s32 $0xFFFFE003, lr  }
0x1b: {  	s9 =	sadd.s32 $0xFFFFFEF7, lr;
	s5 =	simm.s32 $0xFFFFFFFF;
	p2 =	slt.u32 s8, $0xFFFFF086  }
0x1c: {  	p1 =	slt.u32 s9, $0xF7A;
	s5 =	simm.s32 @!p2 $0x0  }
0x1d: {  	s5 =	simm.s32 @p1 $0x1;
	p0 =	seq.s32 s7, s2  }
0x1e: {  	s7 =	smul.u32 @!p0 $0xF7A, s2;
	p2 =	seq.s32 @!p0 s5, $0x0  }
0x1f: {  	s9 =	smul.u32 $0xF7A, s1;
	s8 =	simm.s32 @!p0 $0x1BF5;
	p2 =	por !p2, p0  }
0x20: {  	[sflag:s8] =	ssyncset.s32 @!p0 $0xFFFFF086;
	s6 =	sadd.s32 @!p0 s3, s7;
	s7 =	simm.s32 @!p0 $0x108  }
0x21: {  	s3 =	sadd.s32 s3, s9;
	s6 =	sadd.s32 @!p0 $0x88, s6;
	s7 =	simm.s32 @p2 $0x1082  }
0x22: {  	[simem:s7], [sflag:s8] =	dma.local @!p0 [hbm:s6], $0xF7A  }
0x23: {  	s9 =	sor.u32 $0xD0000000, s2;
	s6 =	simm.s32 $0x108;
	_ =	swait.ge @!p0 [sflag:s8], $0x0  }
0x24: {  	s3 =	sadd.s32 $0x88, s3;
	s6 =	simm.s32 @!p1 $0x1082;
	[sflag:s4] =	ssyncset.s32 $0xFFFFF086  }
0x25: {  	[simem:s6], [sflag:s4] =	dma.local [hbm:s3], $0xF7A  }
0x26: {  	[smem:$0x3FA0] =	sst s1;
	(tag) =	ssettag s2;
	_ =	strace s9  }
0x27: {  	s1 =	sld [smem:$0x3FB0]  }
0x28: {  	s2 =	sld [smem:$0x3FB1]  }
0x29: {  	s4 =	sld [smem:$0x3FB3]  }
0x2a: {  	p0 =	seq.s32 s5, $0x0;
	s5 =	sld [smem:$0x3FB4]  }
0x2b: {  	s6 =	sld [smem:$0x3FB5]  }
0x2c: {  	s7 =	sld [smem:$0x3FB6]  }
0x2d: {  	s3 =	simm.s32 $0x108;
	s8 =	sld [smem:$0x3FB7]  }
0x2e: {  	s3 =	simm.s32 @!p0 $0x1082;
	s9 =	sld [smem:$0x3FB8]  }
0x2f: {  	lr =	sadd.s32 s0, s3;
	s0 =	sld [smem:$0x3FAF]  }
0x30: {  	s3 =	sld [smem:$0x3FB2]  }
0x31: {  	[smem:$0x3FBB] =	sst s10  }
0x32: {  	s10 =	sld [smem:$0x3FB9];
	_ =	sdelay $0x3  }
0x33: {  	p0 =	seq.s32 s10, $0x1;
	s10 =	sld [smem:$0x3FBB];
	_ =	sdelay $0x3  }
0x34: {  	[smem:$0x3FBB] =	sst s10  }
0x35: {  	s10 =	sld [smem:$0x3FBA];
	_ =	sdelay $0x3  }
0x36: {  	p1 =	seq.s32 s10, $0x1;
	s10 =	sld [smem:$0x3FBB];
	_ =	sdelay $0x3  }
0x37: {  	[smem:$0x3FBB] =	sst s10  }
0x38: {  	s10 =	sld [smem:$0x3FBC]  }
0x39: {  	_ = 	snop;
	(pc) =	sbr.ind lr, $3  }
0x3a: {  	_ = 	snop  }
0x3b: {  	_ = 	snop  }
0x3c: {  	p2 =	seq.s32 s10, $0x1;
	s10 =	sld [smem:$0x3FBB]  }
0x3d: {  	_ =	shalt  }
0x3e: {  	_ =	shalt  }
0x3f: {  	_ =	shalt  }
0x40: {  	_ =	shalt  }
0x41: {  	_ =	shalt  }
0x42: {  	_ =	shalt  }
0x43: {  	_ =	shalt  }
0x44: {  	_ =	shalt  }
0x45: {  	_ =	shalt  }
0x46: {  	_ =	shalt  }
0x47: {  	_ =	shalt  }
0x48: {  	_ =	shalt  }
0x49: {  	_ =	shalt  }
0x4a: {  	_ =	shalt  }
0x4b: {  	_ =	shalt  }
0x4c: {  	_ =	shalt  }
0x4d: {  	_ =	shalt  }
0x4e: {  	_ =	shalt  }
0x4f: {  	_ =	shalt  }
0x50: {  	_ =	shalt  }
0x51: {  	_ =	shalt  }
0x52: {  	_ =	shalt  }
0x53: {  	_ =	shalt  }
0x54: {  	_ =	shalt  }
0x55: {  	_ =	shalt  }
0x56: {  	_ =	shalt  }
0x57: {  	_ =	shalt  }
0x58: {  	_ =	shalt  }
0x59: {  	_ =	shalt  }
0x5a: {  	_ =	shalt  }
0x5b: {  	_ =	shalt  }
0x5c: {  	_ =	shalt  }
0x5d: {  	_ =	shalt  }
0x5e: {  	_ =	shalt  }
0x5f: {  	_ =	shalt  }
0x60: {  	_ =	shalt  }
0x61: {  	_ =	shalt  }
0x62: {  	_ =	shalt  }
0x63: {  	_ =	shalt  }
0x64: {  	_ =	shalt  }
0x65: {  	_ =	shalt  }
0x66: {  	_ =	shalt  }
0x67: {  	_ =	shalt  }
0x68: {  	_ =	shalt  }
0x69: {  	_ =	shalt  }
0x6a: {  	_ =	shalt  }
0x6b: {  	_ =	shalt  }
0x6c: {  	_ =	shalt  }
0x6d: {  	_ =	shalt  }
0x6e: {  	_ =	shalt  }
0x6f: {  	_ =	shalt  }
0x70: {  	_ =	shalt  }
0x71: {  	_ =	shalt  }
0x72: {  	_ =	shalt  }
0x73: {  	_ =	shalt  }
0x74: {  	_ =	shalt  }
0x75: {  	_ =	shalt  }
0x76: {  	_ =	shalt  }
0x77: {  	_ =	shalt  }
0x78: {  	_ =	shalt  }
0x79: {  	_ =	shalt  }
0x7a: {  	_ =	shalt  }
0x7b: {  	_ =	shalt  }
0x7c: {  	_ =	shalt  }
0x7d: {  	_ =	shalt  }
0x7e: {  	_ =	shalt  }
0x7f: {  	_ =	shalt  }
0x80: {  	_ =	shalt  }
0x81: {  	_ =	shalt  }
0x82: {  	_ =	shalt  }
0x83: {  	_ =	shalt  }
0x84: {  	_ =	shalt  }
0x85: {  	_ =	shalt  }
0x86: {  	_ =	shalt  }
0x87: {  	_ =	shalt  }
.Lfunc_end0:
.L_simem_size_0:
called_computation_lowered:
.L_overlay_start_0:
0x88: {  	s2 =	sld [smem:$0x3FD9]  }
0x89: {  	s3 =	sld [smem:$0x3FFE];
	_ =	sdelay $0x1  }
0x8a: {  	s1 =	srdreg.scid  }
0x8b: {  	s0 =	sand.u32 $0x1, s1  }
0x8c: {  	s17 =	sshll.u32 s0, $0xA;
	s2 =	sadd.s32 s3, s2  }
0x8d: {  	s2 =	sadd.s32 s2, s17  }
0x8e: {  	[smem:$0x3FC7] =	sst s2  }
0x8f: {  	_ = 	snop  }
0x90: {  	s2 =	sld [smem:$0x3FC9];
	(tm) =	ssettm $0x1  }
0x91: {  	s18 =	sld [smem:$0x3FFB];
	_ =	sdelay $0x3  }
0x92: {  	_ =	strace s18  }
0x93: {  	s3 =	sld [smem:$0x3FFC];
	_ =	sdelay $0x3  }
0x94: {  	_ =	strace s3  }
0x95: {  	s3 =	sld [smem:$0x3FFD];
	_ =	sdelay $0x3  }
0x96: {  	_ =	strace s3  }
0x97: {  	_ =	strace $0x8FFFFFFF  }
0x98: {  	s19 =	sld [smem:$0x3FDB];
	_ =	sdelay $0x1  }
0x99: {  	s4 =	simm.s32 $_scs_section_size  }
0x9a: {  	s5 =	simm.s32 $_size__tile_overlayer_lowered;
	s6 =	simm.s32 $_tile_overlayer_lowered  }
0x9b: {  	s22 =	simm.s32 $0x1BFF;
	s21 =	sshll.u32 s6, $0x1;
	s3 =	sadd.s32 s4, s19  }
0x9c: {  	s7 =	simm.s32 $0x0;
	s20 =	sshll.u32 s5, $0x1;
	s5 =	sadd.s32 s21, s3  }
0x9d: {  	[timem:s7], [sflag:s22] =	dma.local [hbm:s5], s20  }
0x9e: {  	_ =	swait.ge [sflag:s22], s20  }
0x9f: {  	s4 =	ssub.s32 $0x0, s20;
	[sflag:s22] =	ssyncset.done $0x0  }
0xa0: {  	[sflag:s22] =	ssyncadd.s32 s4;
	_ =	sdelay $0x1  }
0xa1: {  	s23 =	simm.s32 $0x1B8B  }
0xa2: {  	_ =	swait.ge [sflag:s23], $0x1  }
0xa3: {  	[sflag:s23] =	ssyncset.done $0x0  }
0xa4: {  	s25 =	simm.s32 $0x1B8E;
	s24 =	sld [smem:$0x3FFE];
	[sflag:s23] =	ssyncadd.s32 $0xFFFFFFFF  }
0xa5: {  	s26 =	simm.s32 $execute0_lowered;
	[smem:$0x3FD2] =	sst s25  }
0xa6: {  	s5 =	sshll.u32 s26, $0x1;
	_ =	strace $0x80000046;
	[dreg:$0x1] =	wrdreg $0xFFFFFFFF  }
0xa7: {  	s28 =	simm.s32 $_size_execute0_lowered;
	s3 =	sadd.s32 s3, s5;
	[dreg:$0x0] =	wrdreg $0x0  }
0xa8: {  	s5 =	sshll.u32 s28, $0x1;
	[dreg:$0x2] =	wrdreg s3  }
0xa9: {  	[dreg:$0x3] =	wrdreg s5  }
0xaa: {  	[dreg:$0x4] =	wrdreg $0xC0  }
0xab: {  	_ =	task [dreg:s7], $0x5FFFF  }
0xac: {  	[dreg:$0x1] =	wrdreg $0xFFFFFFFF  }
0xad: {  	[dreg:$0x0] =	wrdreg $0x60  }
0xae: {  	[dreg:$0x2] =	wrdreg s2  }
0xaf: {  	[dreg:$0x3] =	wrdreg s24  }
0xb0: {  	[dreg:$0x4] =	wrdreg $0x9  }
0xb1: {  	_ =	task.clear_ibuf [dreg:s7], $0x5FFFF;
	_ =	strace $0x90000046  }
0xb2: {  	s29 =	simm.s32 $0x9;
	_ =	strace $0x80000048  }
0xb3: {  	_ =	swait.ge [sflag:s29], $0x1  }
0xb4: {  	[sflag:s29] =	ssyncadd.s32 $0xFFFFFFFF  }
0xb5: {  	_ =	strace $0x90000048  }
0xb6: {  	_ =	sfence  }
0xb7: {  	s30 =	sld [smem:$0x0];
	_ =	sdelay $0x2  }
0xb8: {  	s31 =	sshll.u32 s1, $0xD;
	s1 =	sshrl.u32 s1, $0x2  }
0xb9: {  	s3 =	sand.u32 $0x4000, s31;
	s1 =	sadd.s32 s1, s30  }
0xba: {  	s0 =	sor.u32 s3, s0;
	s1 =	sshll.u32 s1, $0x11  }
0xbb: {  	s0 =	sor.u32 s1, s0  }
0xbc: {  	s0 =	sadd.s32 $0x8F2B, s0  }
0xbd: {  	[sflag:s0] =	ssyncadd.remote.s32 $0x1  }
0xbe: {  	_ =	sfence.sel $0xFFFF  }
0xbf: {  	[dreg:$0x0] =	wrdreg $0xFFFFFFFF;
	(pc) =	sbr.abs _section_cstart, $3  }
0xc0: {  	[dreg:$0x1] =	wrdreg $0xFFFFFFFF  }
0xc1: {  	_ =	task.clear_ibuf [dreg:s7], $0x2FFFF;
	_ =	strace $0x9FFFFFFF  }
0xc2: {  	(tm) =	ssettm $0x7FFFFFFF  }
0xc3: {  	_ =	shalt  }
tec
execute0_lowered:
.L_overlay_start_1:
0x0: {  	(tag) =	ssettag $0x1  }
0x1: {  	s1 =	srdreg.scid  }
0x2: {  	s0 =	stileid.u32;
	s4 =	rddreg [dreg:$0x0]  }
0x3: {  	s6 =	rddreg [dreg:$0x1];
	s2 =	simm.s32 $0x0;
	s9 =	simm.s32 $0x8820  }
0x4: {  	s10 =	simm.s32 $0x80;
	s3 =	sand.u32 $0x1, s1;
	s29 =	sshll.u32 s0, $0x1  }
0x5: {  	s11 =	simm.s32 $0x400;
	s30 =	sshrl.u32 s0, $0x2;
	s5 =	sor.u32 s3, s29  }
0x6: {  	s12 =	simm.s32 $0x2;
	s7 =	smul.u32 $0x6400, s30;
	s8 =	sshll.u32 s5, $0x7  }
0x7: {  	s13 =	simm.s32 $0x0;
	s1 =	rddreg [dreg:$0x2];
	s8 =	sand.u32 $0x380, s8  }
0x8: {  	[smem:$0x7FF] =	sst s2;
	s3 =	ssub.s32 $0x2, s3;
	s7 =	sor.u32 s7, s8  }
0x9: {  	_ =	strace $0x80000047;
	s31 =	sshrl.u32 s3, $0x1;
	s7 =	sshrl.u32 s7, $0x3  }
0xa: {  	s5 =	sshll.u32 s5, $0xC;
	s8 =	simm.s32 $0x8410;
	s6 =	sadd.s32 s7, s6  }
0xb: {  	s7 =	ssub.s32 s3, s31;
	s3 =	sadd.s32 s4, s5;
	s4 =	sadd.s32 $0x600, s6  }
0xc: {  	v0 =	vimm.f32 $0.0e+00;
	v1 =	vimm.f32 $1.000000000e+00;
	s5 =	smax.u32 s7, $0x1;
	s6 =	simm.s32 $0x1;
	s7 =	simm.s32 $0x8000  }
.LBB2_1:
0xd: {  	[tilespmem:s2], [sflag:$0x1] =	stream.linear.gather [hbm4b:s3+s2], $0x8000, $0x38;
	[tilespmem:$0x8C80] =	vst v63  }
0xe: {  	s14 =	simm.s32 $0x40;
	s15 =	simm.s32 $0x0  }
.LBB2_2:
0xf: {  	p0 =	sne.s32 s14, $0x1000;
	[tilespmem:s15+$0x8820] =	vst v0;
	s16 =	smov.u32 s14;
	s14 =	sadd.s32 $0x40, s14  }
.Ltmp0:
0x10: {  	[tilespmem:s15+$0x8000] =	vst v0;
	(pc) =	sbr.rel @p0 .LBB2_2-.Ltmp0, $2  }
0x11: {  	[tilespmem:s15+$0x8410] =	vst v0;
	_ =	sdelay $0x2  }
0x12: {  	s15 =	sshra.s32 s16, $0x2  }
0x13: {  	[tilespmem:s15+$0x8820] =	vst v0  }
0x14: {  	[tilespmem:s15+$0x8000] =	vst v0  }
0x15: {  	[tilespmem:s15+$0x8410] =	vst v0  }
0x16: {  	_ =	swait.ge [sflag:s6], $0x8000  }
0x17: {  	[sflag:s6] =	ssyncset.done $0x0  }
0x18: {  	s14 =	simm.s32 $0x0;
	[sflag:s6] =	ssyncadd.s32 $0xFFFF8000  }
0x19: {  	v2 =	vld [tilespmem:s14+$0x10]  }
0x1a: {  	v3 =	vld [tilespmem:s14+$0x0];
	_ =	sdelay $0x3  }
0x1b: {  	v4 =	vld [tilespmem:s14+$0x40];
	v2 =	vmul.f32 $1.278750000e+02, v2  }
0x1c: {  	v3 =	vmul.f32 $1.278750000e+02, v3  }
0x1d: {  	v2 =	vadd.f32 $5.440000000e+02, v2  }
0x1e: {  	v3 =	vadd.f32 $5.440000000e+02, v3  }
0x1f: {  	v2 =	vmax.f32 v2, $2.810000040e+01  }
0x20: {  	v4 =	vmul.f32 $1.278750000e+02, v4;
	v3 =	vmax.f32 v3, $2.810000040e+01;
	v2 =	vmin.f32 v2, $1.059900020e+03  }
0x21: {  	v6 =	vld [tilespmem:s14+$0x70];
	v3 =	vmin.f32 v3, $1.059900020e+03;
	v5 =	vtrunc.f32 v2  }
0x22: {  	v4 =	vadd.f32 $5.440000000e+02, v4;
	v7 =	vtrunc.f32 v3;
	v8 =	vcvt.f32.s32 v5;
	v5 =	vld [tilespmem:s14+$0x30]  }
0x23: {  	v9 =	vld [tilespmem:s14+$0x20];
	v7 =	vcvt.f32.s32 v7  }
0x24: {  	v4 =	vmax.f32 v4, $2.810000040e+01;
	v10 =	vcvt.s32.f32 v8  }
0x25: {  	v12 =	vmin.f32 v4, $1.059900020e+03;
	v11 =	vcvt.s32.f32 v7  }
0x26: {  	v4 =	vtrunc.f32 v12;
	v7 =	vadd.s32 $0xFFFFFFE8, v7;
	v2 =	vsub.f32 v2, v10  }
0x27: {  	v10 =	vsub.f32 v3, v11;
	v3 =	vcvt.f32.s32 v4;
	v5 =	vmul.f32 $1.278750000e+02, v5  }
0x28: {  	v4 =	vadd.f32 $-5.000000000e-01, v2;
	v2 =	vmul.f32 $1.278750000e+02, v6;
	v6 =	vmul.f32 $1.278750000e+02, v9  }
0x29: {  	v9 =	vcvt.s32.f32 v3;
	v16 =	vadd.f32 $-5.000000000e-01, v10;
	v11 =	vadd.f32 $5.440000000e+02, v5  }
0x2a: {  	v2 =	vadd.f32 $5.440000000e+02, v2;
	v6 =	vadd.f32 $5.440000000e+02, v6  }
0x2b: {  	v5 =	vsub.f32 v12, v9;
	v13 =	vmul.f32 v16, v16;
	v9 =	vmax.f32 v11, $2.810000040e+01  }
0x2c: {  	v10 =	vld [tilespmem:s14+$0x60];
	v2 =	vmax.f32 v2, $2.810000040e+01;
	v11 =	vmax.f32 v6, $2.810000040e+01;
	v6 =	vmin.f32 v9, $1.059900020e+03  }
0x2d: {  	v14 =	vld [tilespmem:s14+$0x50];
	v12 =	vmin.f32 v11, $1.059900020e+03;
	v9 =	vtrunc.f32 v6;
	v2 =	vmin.f32 v2, $1.059900020e+03  }
0x2e: {  	[tilespmem:v7+s7+$0x0] =	vst.idx.add.f32.msk $0xffff, v1;
	v15 =	vtrunc.f32 v12;
	v11 =	vcvt.f32.s32 v9;
	v9 =	vadd.s32 $0xFFFFFFE8, v8  }
0x2f: {  	s14 =	simm.s32 $0x200;
	[tilespmem:v7+s8+$0x0] =	vst.idx.add.f32.msk $0xffff, v16;
	v8 =	vtrunc.f32 v2;
	v15 =	vcvt.f32.s32 v15  }
.LBB2_4:
0x30: {  	s15 =	sshra.s32 s14, $0x2;
	p0 =	sne.s32 s14, $0x1FE00;
	s14 =	sadd.s32 $0x200, s14;
	v5 =	vadd.f32 $-5.000000000e-01, v5;
	[tilespmem:v7+s9+$0x0] =	vst.idx.add.f32.msk $0xffff, v13  }
0x31: {  	v10 =	vmul.f32 $1.278750000e+02, v10;
	v7 =	vld [tilespmem:s15+$0x10];
	v13 =	vcvt.s32.f32 v15;
	v15 =	vadd.s32 $0xFFFFFFE8, v15  }
0x32: {  	v3 =	vadd.s32 $0xFFFFFFE8, v3;
	v8 =	vcvt.f32.s32 v8;
	v16 =	vld [tilespmem:s15+$0x0];
	v14 =	vmul.f32 $1.278750000e+02, v14  }
0x33: {  	v17 =	vmul.f32 v4, v4;
	v10 =	vadd.f32 $5.440000000e+02, v10;
	v12 =	vsub.f32 v12, v13;
	[tilespmem:v9+s7+$0x0] =	vst.idx.add.f32.msk $0xffff, v1  }
0x34: {  	v18 =	vadd.s32 $0xFFFFFFE8, v8;
	v13 =	vcvt.s32.f32 v11;
	v14 =	vadd.f32 $5.440000000e+02, v14;
	[tilespmem:v9+s8+$0x0] =	vst.idx.add.f32.msk $0xffff, v4  }
0x35: {  	v11 =	vadd.s32 $0xFFFFFFE8, v11;
	v10 =	vmax.f32 v10, $2.810000040e+01;
	v4 =	vadd.f32 $-5.000000000e-01, v12;
	[tilespmem:v9+s9+$0x0] =	vst.idx.add.f32.msk $0xffff, v17  }
0x36: {  	v6 =	vsub.f32 v6, v13;
	v9 =	vmul.f32 v5, v5;
	v12 =	vmax.f32 v14, $2.810000040e+01;
	[tilespmem:v15+s7+$0x0] =	vst.idx.add.f32.msk $0xffff, v1  }
0x37: {  	v7 =	vmul.f32 $1.278750000e+02, v7;
	v13 =	vmul.f32 v4, v4;
	v12 =	vmin.f32 v12, $1.059900020e+03;
	[tilespmem:v15+s8+$0x0] =	vst.idx.add.f32.msk $0xffff, v4  }
0x38: {  	v4 =	vmul.f32 $1.278750000e+02, v16;
	v6 =	vadd.f32 $-5.000000000e-01, v6;
	v14 =	vld [tilespmem:s15+$0x40];
	v16 =	vtrunc.f32 v12  }
0x39: {  	v10 =	vmin.f32 v10, $1.059900020e+03;
	v7 =	vadd.f32 $5.440000000e+02, v7;
	v16 =	vcvt.f32.s32 v16;
	[tilespmem:v15+s9+$0x0] =	vst.idx.add.f32.msk $0xffff, v13  }
0x3a: {  	v4 =	vadd.f32 $5.440000000e+02, v4;
	v13 =	vmul.f32 v6, v6;
	v15 =	vtrunc.f32 v10;
	[tilespmem:v11+s7+$0x0] =	vst.idx.add.f32.msk $0xffff, v1  }
0x3b: {  	v7 =	vmax.f32 v7, $2.810000040e+01;
	v17 =	vcvt.s32.f32 v16;
	v16 =	vadd.s32 $0xFFFFFFE8, v16;
	[tilespmem:v11+s8+$0x0] =	vst.idx.add.f32.msk $0xffff, v6  }
0x3c: {  	v4 =	vmax.f32 v4, $2.810000040e+01;
	v6 =	vmin.f32 v7, $1.059900020e+03;
	v7 =	vcvt.f32.s32 v15;
	[tilespmem:v11+s9+$0x0] =	vst.idx.add.f32.msk $0xffff, v13  }
0x3d: {  	v4 =	vmin.f32 v4, $1.059900020e+03;
	v11 =	vtrunc.f32 v6;
	v13 =	vmul.f32 $1.278750000e+02, v14;
	[tilespmem:v3+s7+$0x0] =	vst.idx.add.f32.msk $0xffff, v1  }
0x3e: {  	v14 =	vtrunc.f32 v4;
	v11 =	vcvt.f32.s32 v11;
	v12 =	vsub.f32 v12, v17;
	[tilespmem:v3+s8+$0x0] =	vst.idx.add.f32.msk $0xffff, v5  }
0x3f: {  	v14 =	vcvt.f32.s32 v14;
	v5 =	vadd.f32 $5.440000000e+02, v13;
	v13 =	vcvt.s32.f32 v7;
	[tilespmem:v3+s9+$0x0] =	vst.idx.add.f32.msk $0xffff, v9  }
0x40: {  	v3 =	vcvt.s32.f32 v11;
	v9 =	vadd.f32 $-5.000000000e-01, v12;
	v7 =	vadd.s32 $0xFFFFFFE8, v7;
	[tilespmem:v16+s7+$0x0] =	vst.idx.add.f32.msk $0xffff, v1  }
0x41: {  	v12 =	vcvt.s32.f32 v14;
	v5 =	vmax.f32 v5, $2.810000040e+01;
	v15 =	vld [tilespmem:s15+$0x70];
	v10 =	vsub.f32 v10, v13  }
0x42: {  	v3 =	vsub.f32 v6, v3;
	v13 =	vmul.f32 v9, v9;
	v6 =	vld [tilespmem:s15+$0x30];
	v5 =	vmin.f32 v5, $1.059900020e+03  }
0x43: {  	v8 =	vcvt.s32.f32 v8;
	v12 =	vsub.f32 v4, v12;
	v17 =	vld [tilespmem:s15+$0x20];
	v19 =	vtrunc.f32 v5  }
0x44: {  	v4 =	vadd.f32 $-5.000000000e-01, v3;
	v10 =	vadd.f32 $-5.000000000e-01, v10;
	v3 =	vcvt.f32.s32 v19;
	[tilespmem:v16+s8+$0x0] =	vst.idx.add.f32.msk $0xffff, v9  }
0x45: {  	v2 =	vsub.f32 v2, v8;
	v19 =	vadd.f32 $-5.000000000e-01, v12;
	[tilespmem:v16+s9+$0x0] =	vst.idx.add.f32.msk $0xffff, v13  }
0x46: {  	v9 =	vmul.f32 v10, v10;
	v8 =	vcvt.s32.f32 v3;
	[tilespmem:v7+s7+$0x0] =	vst.idx.add.f32.msk $0xffff, v1  }
0x47: {  	v2 =	vadd.f32 $-5.000000000e-01, v2;
	v12 =	vmul.f32 $1.278750000e+02, v15;
	v6 =	vmul.f32 $1.278750000e+02, v6;
	[tilespmem:v7+s8+$0x0] =	vst.idx.add.f32.msk $0xffff, v10  }
0x48: {  	v10 =	vmul.f32 $1.278750000e+02, v17;
	v5 =	vsub.f32 v5, v8;
	[tilespmem:v7+s9+$0x0] =	vst.idx.add.f32.msk $0xffff, v9  }
0x49: {  	v7 =	vadd.s32 $0xFFFFFFE8, v14;
	v8 =	vadd.f32 $5.440000000e+02, v12;
	v6 =	vadd.f32 $5.440000000e+02, v6;
	[tilespmem:v18+s7+$0x0] =	vst.idx.add.f32.msk $0xffff, v1  }
0x4a: {  	v12 =	vmul.f32 v2, v2;
	v9 =	vadd.f32 $5.440000000e+02, v10;
	[tilespmem:v18+s8+$0x0] =	vst.idx.add.f32.msk $0xffff, v2  }
.Ltmp1:
0x4b: {  	v8 =	vmax.f32 v8, $2.810000040e+01;
	v2 =	vmax.f32 v6, $2.810000040e+01;
	v10 =	vld [tilespmem:s15+$0x60];
	(pc) =	sbr.rel @p0 .LBB2_4-.Ltmp1, $4  }
0x4c: {  	v9 =	vmax.f32 v9, $2.810000040e+01;
	v6 =	vmin.f32 v2, $1.059900020e+03;
	v2 =	vmin.f32 v8, $1.059900020e+03;
	[tilespmem:v18+s9+$0x0] =	vst.idx.add.f32.msk $0xffff, v12  }
0x4d: {  	v13 =	vmul.f32 v19, v19;
	v12 =	vmin.f32 v9, $1.059900020e+03;
	v8 =	vtrunc.f32 v6;
	v14 =	vld [tilespmem:s15+$0x50]  }
0x4e: {  	v9 =	vadd.s32 $0xFFFFFFE8, v11;
	v15 =	vtrunc.f32 v12;
	v11 =	vcvt.f32.s32 v8;
	[tilespmem:v7+s7+$0x0] =	vst.idx.add.f32.msk $0xffff, v1  }
0x4f: {  	v8 =	vtrunc.f32 v2;
	v15 =	vcvt.f32.s32 v15;
	[tilespmem:v7+s8+$0x0] =	vst.idx.add.f32.msk $0xffff, v19  }
0x50: {  	_ =	sdelay $0x1  }
0x51: {  	v16 =	vcvt.s32.f32 v15;
	v14 =	vmul.f32 $1.278750000e+02, v14  }
0x52: {  	v45 =	vadd.s32 $0xFFFFFFE8, v15  }
0x53: {  	[tilespmem:v7+s9+$0x0] =	vst.idx.add.f32.msk $0xffff, v13;
	v46 =	vcvt.s32.f32 v11;
	v12 =	vsub.f32 v12, v16;
	v47 =	vadd.f32 $5.440000000e+02, v14  }
0x54: {  	v10 =	vmul.f32 $1.278750000e+02, v10;
	v48 =	vmul.f32 v4, v4;
	v49 =	vadd.s32 $0xFFFFFFE8, v11;
	[tilespmem:v9+s7+$0x0] =	vst.idx.add.f32.msk $0xffff, v1  }
0x55: {  	[tilespmem:v9+s8+$0x0] =	vst.idx.add.f32.msk $0xffff, v4;
	v6 =	vsub.f32 v6, v46;
	v12 =	vadd.f32 $-5.000000000e-01, v12;
	v50 =	vmax.f32 v47, $2.810000040e+01  }
0x56: {  	v10 =	vadd.f32 $5.440000000e+02, v10;
	[tilespmem:v9+s9+$0x0] =	vst.idx.add.f32.msk $0xffff, v48;
	v7 =	vmin.f32 v50, $1.059900020e+03  }
0x57: {  	v6 =	vadd.f32 $-5.000000000e-01, v6;
	[tilespmem:v45+s7+$0x0] =	vst.idx.add.f32.msk $0xffff, v1;
	v51 =	vmul.f32 v12, v12;
	v52 =	vtrunc.f32 v7  }
0x58: {  	v3 =	vadd.s32 $0xFFFFFFE8, v3;
	v10 =	vmax.f32 v10, $2.810000040e+01;
	[tilespmem:v45+s8+$0x0] =	vst.idx.add.f32.msk $0xffff, v12;
	v11 =	vcvt.f32.s32 v52  }
0x59: {  	v10 =	vmin.f32 v10, $1.059900020e+03;
	v53 =	vmul.f32 v6, v6;
	[tilespmem:v45+s9+$0x0] =	vst.idx.add.f32.msk $0xffff, v51  }
0x5a: {  	v54 =	vtrunc.f32 v10;
	[tilespmem:v49+s7+$0x0] =	vst.idx.add.f32.msk $0xffff, v1;
	v55 =	vcvt.s32.f32 v11  }
0x5b: {  	v5 =	vadd.f32 $-5.000000000e-01, v5;
	v56 =	vcvt.f32.s32 v54;
	v11 =	vadd.s32 $0xFFFFFFE8, v11;
	[tilespmem:v49+s8+$0x0] =	vst.idx.add.f32.msk $0xffff, v6  }
0x5c: {  	[tilespmem:v49+s9+$0x0] =	vst.idx.add.f32.msk $0xffff, v53;
	v57 =	vsub.f32 v7, v55  }
0x5d: {  	v58 =	vmul.f32 v5, v5;
	v59 =	vcvt.s32.f32 v56;
	[tilespmem:v3+s7+$0x0] =	vst.idx.add.f32.msk $0xffff, v1  }
0x5e: {  	v8 =	vcvt.f32.s32 v8;
	v60 =	vadd.s32 $0xFFFFFFE8, v56;
	[tilespmem:v3+s8+$0x0] =	vst.idx.add.f32.msk $0xffff, v5;
	v4 =	vadd.f32 $-5.000000000e-01, v57  }
0x5f: {  	[tilespmem:v3+s9+$0x0] =	vst.idx.add.f32.msk $0xffff, v58;
	v3 =	vsub.f32 v10, v59  }
0x60: {  	v62 =	vcvt.s32.f32 v8;
	[tilespmem:v11+s7+$0x0] =	vst.idx.add.f32.msk $0xffff, v1;
	v61 =	vmul.f32 v4, v4  }
0x61: {  	v8 =	vadd.s32 $0xFFFFFFE8, v8;
	v3 =	vadd.f32 $-5.000000000e-01, v3;
	[tilespmem:v11+s8+$0x0] =	vst.idx.add.f32.msk $0xffff, v4  }
0x62: {  	v2 =	vsub.f32 v2, v62;
	[tilespmem:v11+s9+$0x0] =	vst.idx.add.f32.msk $0xffff, v61  }
0x63: {  	v63 =	vmul.f32 v3, v3;
	[tilespmem:v60+s7+$0x0] =	vst.idx.add.f32.msk $0xffff, v1  }
0x64: {  	v2 =	vadd.f32 $-5.000000000e-01, v2;
	[tilespmem:v60+s8+$0x0] =	vst.idx.add.f32.msk $0xffff, v3  }
0x65: {  	[tilespmem:v60+s9+$0x0] =	vst.idx.add.f32.msk $0xffff, v63  }
0x66: {  	s13 =	sadd.s32 $0x1, s13;
	v3 =	vmul.f32 v2, v2;
	[tilespmem:v8+s7+$0x0] =	vst.idx.add.f32.msk $0xffff, v1  }
0x67: {  	p0 =	sne.s32 s13, s5;
	[tilespmem:v8+s8+$0x0] =	vst.idx.add.f32.msk $0xffff, v2  }
.Ltmp2:
0x68: {  	[tilespmem:v8+s9+$0x0] =	vst.idx.add.f32.msk $0xffff, v3;
	(pc) =	sbr.rel @p0 .LBB2_1-.Ltmp2, $4  }
0x69: {  	[hbm4b:s4+s10] =	stream.strided.scatter [tilespmem:s7], [sflag:$0x2], $0xC80, s11, s10, $0x38;
	[tilespmem:$0x8C80] =	vst v63  }
0x6a: {  	_ =	swait.ge [sflag:s12], $0xC80  }
0x6b: {  	[sflag:s12] =	ssyncset.done $0x0  }
0x6c: {  	[sflag:s12] =	ssyncadd.s32 $0xFFFFF380  }
0x6d: {  	_ =	sfence.sel $0x180000  }
0x6e: {  	[bflag:$0x0] =	sbarrier.arrive $0xFFFF  }
0x6f: {  	p0 =	sne.s32 s0, $0x0;
	_ =	strace $0x90000047  }
0x70: {  	s0 =	sadd.s32 @!p0 $0x100000, s1;
	[bflag:$0x2] =	sbarrier.arrive $0xFFFF  }
0x71: {  	[sflag:s0] =	ssyncadd.tile.s32 @!p0 $0x1;
	_ =	shalt  }
.Lfunc_end2:
_tile_overlayer_lowered:
.L_overlay_start_2:
0x72: {  	(tag) =	ssettag $0x2  }
0x73: {  	s0 =	rddreg [dreg:$0x0];
	s2 =	stileid.u32  }
0x74: {  	s1 =	rddreg [dreg:$0x1];
	p0 =	sne.s32 s2, $0x0  }
0x75: {  	s3 =	rddreg [dreg:$0x2];
	[bflag:$0x3] =	sbarrier.arrive $0xFFFF;
	s2 =	simm.s32 @!p0 $0x1C02  }
0x76: {  	[timem:s3], [sflag:s2] =	dma.local @!p0 [hbm:s0], s1  }
0x77: {  	s0 =	simm.s32 @!p0 $0x2  }
0x78: {  	_ =	swait.ge @!p0 [sflag:s0], s1  }
0x79: {  	s1 =	ssub.s32 @!p0 $0x0, s1;
	[sflag:s0] =	ssyncset.done @!p0 $0x0  }
0x7a: {  	[sflag:s0] =	ssyncadd.s32 @!p0 s1  }
0x7b: {  	[bflag:$0x3] =	sbarrier.arrive $0xFFFF  }
0x7c: {  	_ =	shalt  }

</sc_bundles>
